<compile_context>
chip_gen: v7x
topology: tpu7x:2x2x1
jax: 0.10.2.dev20260603
libtpu: 0.0.44.dev20260713+nightly
codegen_flags: <defaults>
</compile_context>

<pallas_src>
import jax
import jax.numpy as jnp
from jax import lax
from jax.experimental import pallas as pl
from jax.experimental.pallas import tpu as pltpu
from jax.experimental.pallas import tpu_sc as plsc
import functools

VOCAB = 1000000
EMB = 64
B = 16384
L = 50
LP = 56

NC = 2
NS = 16
NW = NC * NS

G = 128
NGRP = B * LP // G
GPW = NGRP // NW
NBUF = 8


def _make_gather():
    mesh = plsc.VectorSubcoreMesh(
        core_axis_name="c", subcore_axis_name="s",
        num_cores=NC, num_subcores=NS)

    @functools.partial(
        pl.kernel,
        out_type=jax.ShapeDtypeStruct((NW, GPW, G, 2 * EMB), jnp.float32),
        mesh=mesh,
        scratch_types=[
            pltpu.VMEM((GPW, G), jnp.int32),
            pltpu.VMEM((NBUF, G, EMB), jnp.float32),
            pltpu.SemaphoreType.DMA((NBUF,)),
            pltpu.SemaphoreType.DMA((NBUF,)),
        ],
        compiler_params=pltpu.CompilerParams(use_tc_tiling_on_sc=False),
    )
    def gather_kernel(idx_hbm, table_hbm, out_hbm, idx_v, rows_v, gsem, osem):
        cid = lax.axis_index("c")
        sid = lax.axis_index("s")
        wid = sid * NC + cid
        g0 = wid * GPW
        pltpu.sync_copy(idx_hbm.at[pl.ds(g0, GPW)], idx_v)

        def start_gather(r, g):
            pltpu.make_async_copy(
                table_hbm.at[idx_v.at[g]], rows_v.at[r], gsem.at[r]).start()

        def wait_gather(r, g):
            pltpu.make_async_copy(
                table_hbm.at[idx_v.at[g]], rows_v.at[r], gsem.at[r]).wait()

        def start_out(r, g):
            pltpu.make_async_copy(
                rows_v.at[r],
                out_hbm.at[wid, g, :, pl.ds(0, EMB)], osem.at[r]).start()

        def wait_out(r, g):
            pltpu.make_async_copy(
                rows_v.at[r],
                out_hbm.at[wid, g, :, pl.ds(0, EMB)], osem.at[r]).wait()

        for r in range(NBUF):
            start_gather(r, r)

        @pl.loop(0, GPW - NBUF, step=NBUF)
        def _(j0):
            for r in range(NBUF):
                wait_gather(r, j0 + r)
                start_out(r, j0 + r)
            for r in range(NBUF):
                wait_out(r, j0 + r)
                start_gather(r, j0 + NBUF + r)

        for r in range(NBUF):
            wait_gather(r, GPW - NBUF + r)
            start_out(r, GPW - NBUF + r)
        for r in range(NBUF):
            wait_out(r, GPW - NBUF + r)

    return gather_kernel


_gather = _make_gather()


def kernel(text_vec, w2v_table):
    ti = text_vec.astype(jnp.int32)
    idx = jnp.concatenate([ti, ti[:, :LP - L]], axis=1).reshape(NGRP, G)
    out = _gather(idx, w2v_table)
    return out.reshape(B, LP, 2 * EMB)[:, :L, :EMB]

# --- scband reference (transcript-rebuilt; emitter-appended) ---
"""Pipeline reference for scband-word2-vec-encoder-24343874633940 (READ-ONLY COPY).

The authoritative reference and input builder live on the scoring server;
editing this copy changes nothing except your own understanding.
"""

import jax, jax.numpy as jnp
import numpy as np

VOCAB = 1000000
EMB = 64
B = 16384
L = 50

def setup_inputs(seed: int = 0) -> dict:
    key = jax.random.key(seed)
    k1, k2 = jax.random.split(key)
    text_vec = jax.random.randint(k1, (B, L), 0, VOCAB, dtype=jnp.int64 if jax.config.jax_enable_x64 else jnp.int32)
    w2v_table = jax.random.normal(k2, (VOCAB, EMB), dtype=jnp.float32)
    return {"text_vec": text_vec, "w2v_table": w2v_table}

def reference(text_vec, w2v_table):
    # nn.Embedding forward: gather rows of the table by index
    emb = jnp.take(w2v_table, text_vec, axis=0)
    return emb

if __name__ == "__main__":
    import jax
    _d = setup_inputs()
    print(jax.jit(kernel)(*tuple(_d.values())))

</pallas_src>

<mosaic_0001>
#map = affine_map<(d0, d1) -> (0, 0)>
#map1 = affine_map<(d0, d1) -> (0, 0, 0, 0)>
module attributes {stable_mosaic.version = 14 : i64} {
  func.func @gather_kernel(%arg0: i32, %arg1: i32, %arg2: memref<7168x128xi32, #tpu.memory_space<hbm>>, %arg3: memref<1000000x64xf32, #tpu.memory_space<hbm>>, %arg4: memref<32x224x128x128xf32, #tpu.memory_space<hbm>>, %arg5: memref<224x128xi32, #tpu.memory_space<vmem>>, %arg6: memref<8x128x64xf32, #tpu.memory_space<vmem>>, %arg7: memref<8x!tpu.dma_semaphore, #tpu.memory_space<semaphore_mem>>, %arg8: memref<8x!tpu.dma_semaphore, #tpu.memory_space<semaphore_mem>>) attributes {dimension_semantics = [#tpu.dimension_semantics<core_parallel>, #tpu.dimension_semantics<subcore_parallel>], iteration_bounds = array<i64: 2, 16>, scalar_prefetch = 0 : i64, scratch_operands = 4 : i64, tpu.core_type = #tpu.core_type<sc_vector_subcore>, window_params = [{transform_indices = #map}, {transform_indices = #map}, {transform_indices = #map1}]} {
    %mul3A = arith.constant 2 : i32
    %mul3A_0 = arith.muli %arg1, %mul3A : i32
    %add3A = arith.addi %mul3A_0, %arg0 : i32
    %mul3A_1 = arith.constant 224 : i32
    %mul3A_2 = arith.muli %add3A, %mul3A_1 : i32
    "tpu.region"() ({
      %run_scoped3A = tpu.sem_alloc : memref<!tpu.dma_semaphore, #tpu.memory_space<semaphore_mem>>
      %dma_start3A_581 = arith.constant 0 : i32
      %dma_start3A_582 = tpu.memref_slice %arg2[%mul3A_2, %dma_start3A_581] : memref<7168x128xi32, #tpu.memory_space<hbm>> -> memref<224x128xi32, #tpu.memory_space<hbm>>
      %dma_start3A_583 = arith.constant 0 : i32
      %dma_start3A_584 = tpu.memref_slice %arg2[%mul3A_2, %dma_start3A_583] : memref<7168x128xi32, #tpu.memory_space<hbm>> -> memref<224x128xi32, #tpu.memory_space<hbm>>
      tpu.enqueue_dma source(%dma_start3A_584 : memref<224x128xi32, #tpu.memory_space<hbm>>) target(%arg5 : memref<224x128xi32, #tpu.memory_space<vmem>>) target_semaphore(%run_scoped3A : memref<!tpu.dma_semaphore, #tpu.memory_space<semaphore_mem>>)
      %dma_wait3A_585 = arith.constant 0 : i32
      %dma_wait3A_586 = tpu.memref_slice %arg2[%mul3A_2, %dma_wait3A_585] : memref<7168x128xi32, #tpu.memory_space<hbm>> -> memref<224x128xi32, #tpu.memory_space<hbm>>
      %dma_wait3A_587 = arith.constant 0 : i32
      %dma_wait3A_588 = tpu.memref_slice %arg2[%mul3A_2, %dma_wait3A_587] : memref<7168x128xi32, #tpu.memory_space<hbm>> -> memref<224x128xi32, #tpu.memory_space<hbm>>
      tpu.wait_dma2 semaphore(%run_scoped3A : memref<!tpu.dma_semaphore, #tpu.memory_space<semaphore_mem>>) src(%dma_wait3A_588 : memref<224x128xi32, #tpu.memory_space<hbm>>) dst(%arg5 : memref<224x128xi32, #tpu.memory_space<vmem>>)
      tpu.yield
    }) : () -> ()
    %dma_start3A = arith.constant 0 : i32
    %dma_start3A_3 = arith.constant 0 : i32
    %dma_start3A_4 = arith.constant 0 : i32
    %dma_start3A_5 = arith.constant 0 : i32
    %dma_start3A_6 = arith.constant 0 : i32
    %dma_start3A_7 = tpu.memref_slice %arg6[%dma_start3A_3, %dma_start3A_5, %dma_start3A_6] : memref<8x128x64xf32, #tpu.memory_space<vmem>> -> memref<1x128x64xf32, #tpu.memory_space<vmem>>
    %dma_start3A_8 = tpu.memref_squeeze %dma_start3A_7 : memref<1x128x64xf32, #tpu.memory_space<vmem>> -> memref<128x64xf32, #tpu.memory_space<vmem>>
    %dma_start3A_9 = arith.constant 0 : i32
    %dma_start3A_10 = tpu.memref_slice %arg5[%dma_start3A, %dma_start3A_9] : memref<224x128xi32, #tpu.memory_space<vmem>> -> memref<1x128xi32, #tpu.memory_space<vmem>>
    %dma_start3A_11 = tpu.memref_squeeze %dma_start3A_10 : memref<1x128xi32, #tpu.memory_space<vmem>> -> memref<128xi32, #tpu.memory_space<vmem>>
    %dma_start3A_12 = arith.constant 0 : i32
    %dma_start3A_13 = arith.constant 0 : i32
    %dma_start3A_14 = tpu.memref_slice %arg3[%dma_start3A_12, %dma_start3A_13] : memref<1000000x64xf32, #tpu.memory_space<hbm>> -> memref<1000000x64xf32, #tpu.memory_space<hbm>>
    %dma_start3A_15 = tpu.memref_slice %arg7[%dma_start3A_4] : memref<8x!tpu.dma_semaphore, #tpu.memory_space<semaphore_mem>> -> memref<1x!tpu.dma_semaphore, #tpu.memory_space<semaphore_mem>>
    %dma_start3A_16 = tpu.memref_squeeze %dma_start3A_15 : memref<1x!tpu.dma_semaphore, #tpu.memory_space<semaphore_mem>> -> memref<!tpu.dma_semaphore, #tpu.memory_space<semaphore_mem>>
    tpu.enqueue_indirect_dma source(%dma_start3A_14 : memref<1000000x64xf32, #tpu.memory_space<hbm>>) target(%dma_start3A_8 : memref<128x64xf32, #tpu.memory_space<vmem>>) offsets(%dma_start3A_11 : memref<128xi32, #tpu.memory_space<vmem>>) semaphore(%dma_start3A_16 : memref<!tpu.dma_semaphore, #tpu.memory_space<semaphore_mem>>)
    %dma_start3A_17 = arith.constant 1 : i32
    %dma_start3A_18 = arith.constant 1 : i32
    %dma_start3A_19 = arith.constant 1 : i32
    %dma_start3A_20 = arith.constant 0 : i32
    %dma_start3A_21 = arith.constant 0 : i32
    %dma_start3A_22 = tpu.memref_slice %arg6[%dma_start3A_18, %dma_start3A_20, %dma_start3A_21] : memref<8x128x64xf32, #tpu.memory_space<vmem>> -> memref<1x128x64xf32, #tpu.memory_space<vmem>>
    %dma_start3A_23 = tpu.memref_squeeze %dma_start3A_22 : memref<1x128x64xf32, #tpu.memory_space<vmem>> -> memref<128x64xf32, #tpu.memory_space<vmem>>
    %dma_start3A_24 = arith.constant 0 : i32
    %dma_start3A_25 = tpu.memref_slice %arg5[%dma_start3A_17, %dma_start3A_24] : memref<224x128xi32, #tpu.memory_space<vmem>> -> memref<1x128xi32, #tpu.memory_space<vmem>>
    %dma_start3A_26 = tpu.memref_squeeze %dma_start3A_25 : memref<1x128xi32, #tpu.memory_space<vmem>> -> memref<128xi32, #tpu.memory_space<vmem>>
    %dma_start3A_27 = arith.constant 0 : i32
    %dma_start3A_28 = arith.constant 0 : i32
    %dma_start3A_29 = tpu.memref_slice %arg3[%dma_start3A_27, %dma_start3A_28] : memref<1000000x64xf32, #tpu.memory_space<hbm>> -> memref<1000000x64xf32, #tpu.memory_space<hbm>>
    %dma_start3A_30 = tpu.memref_slice %arg7[%dma_start3A_19] : memref<8x!tpu.dma_semaphore, #tpu.memory_space<semaphore_mem>> -> memref<1x!tpu.dma_semaphore, #tpu.memory_space<semaphore_mem>>
    %dma_start3A_31 = tpu.memref_squeeze %dma_start3A_30 : memref<1x!tpu.dma_semaphore, #tpu.memory_space<semaphore_mem>> -> memref<!tpu.dma_semaphore, #tpu.memory_space<semaphore_mem>>
    tpu.enqueue_indirect_dma source(%dma_start3A_29 : memref<1000000x64xf32, #tpu.memory_space<hbm>>) target(%dma_start3A_23 : memref<128x64xf32, #tpu.memory_space<vmem>>) offsets(%dma_start3A_26 : memref<128xi32, #tpu.memory_space<vmem>>) semaphore(%dma_start3A_31 : memref<!tpu.dma_semaphore, #tpu.memory_space<semaphore_mem>>)
    %dma_start3A_32 = arith.constant 2 : i32
    %dma_start3A_33 = arith.constant 2 : i32
    %dma_start3A_34 = arith.constant 2 : i32
    %dma_start3A_35 = arith.constant 0 : i32
    %dma_start3A_36 = arith.constant 0 : i32
    %dma_start3A_37 = tpu.memref_slice %arg6[%dma_start3A_33, %dma_start3A_35, %dma_start3A_36] : memref<8x128x64xf32, #tpu.memory_space<vmem>> -> memref<1x128x64xf32, #tpu.memory_space<vmem>>
    %dma_start3A_38 = tpu.memref_squeeze %dma_start3A_37 : memref<1x128x64xf32, #tpu.memory_space<vmem>> -> memref<128x64xf32, #tpu.memory_space<vmem>>
    %dma_start3A_39 = arith.constant 0 : i32
    %dma_start3A_40 = tpu.memref_slice %arg5[%dma_start3A_32, %dma_start3A_39] : memref<224x128xi32, #tpu.memory_space<vmem>> -> memref<1x128xi32, #tpu.memory_space<vmem>>
    %dma_start3A_41 = tpu.memref_squeeze %dma_start3A_40 : memref<1x128xi32, #tpu.memory_space<vmem>> -> memref<128xi32, #tpu.memory_space<vmem>>
    %dma_start3A_42 = arith.constant 0 : i32
    %dma_start3A_43 = arith.constant 0 : i32
    %dma_start3A_44 = tpu.memref_slice %arg3[%dma_start3A_42, %dma_start3A_43] : memref<1000000x64xf32, #tpu.memory_space<hbm>> -> memref<1000000x64xf32, #tpu.memory_space<hbm>>
    %dma_start3A_45 = tpu.memref_slice %arg7[%dma_start3A_34] : memref<8x!tpu.dma_semaphore, #tpu.memory_space<semaphore_mem>> -> memref<1x!tpu.dma_semaphore, #tpu.memory_space<semaphore_mem>>
    %dma_start3A_46 = tpu.memref_squeeze %dma_start3A_45 : memref<1x!tpu.dma_semaphore, #tpu.memory_space<semaphore_mem>> -> memref<!tpu.dma_semaphore, #tpu.memory_space<semaphore_mem>>
    tpu.enqueue_indirect_dma source(%dma_start3A_44 : memref<1000000x64xf32, #tpu.memory_space<hbm>>) target(%dma_start3A_38 : memref<128x64xf32, #tpu.memory_space<vmem>>) offsets(%dma_start3A_41 : memref<128xi32, #tpu.memory_space<vmem>>) semaphore(%dma_start3A_46 : memref<!tpu.dma_semaphore, #tpu.memory_space<semaphore_mem>>)
    %dma_start3A_47 = arith.constant 3 : i32
    %dma_start3A_48 = arith.constant 3 : i32
    %dma_start3A_49 = arith.constant 3 : i32
    %dma_start3A_50 = arith.constant 0 : i32
    %dma_start3A_51 = arith.constant 0 : i32
    %dma_start3A_52 = tpu.memref_slice %arg6[%dma_start3A_48, %dma_start3A_50, %dma_start3A_51] : memref<8x128x64xf32, #tpu.memory_space<vmem>> -> memref<1x128x64xf32, #tpu.memory_space<vmem>>
    %dma_start3A_53 = tpu.memref_squeeze %dma_start3A_52 : memref<1x128x64xf32, #tpu.memory_space<vmem>> -> memref<128x64xf32, #tpu.memory_space<vmem>>
    %dma_start3A_54 = arith.constant 0 : i32
    %dma_start3A_55 = tpu.memref_slice %arg5[%dma_start3A_47, %dma_start3A_54] : memref<224x128xi32, #tpu.memory_space<vmem>> -> memref<1x128xi32, #tpu.memory_space<vmem>>
    %dma_start3A_56 = tpu.memref_squeeze %dma_start3A_55 : memref<1x128xi32, #tpu.memory_space<vmem>> -> memref<128xi32, #tpu.memory_space<vmem>>
    %dma_start3A_57 = arith.constant 0 : i32
    %dma_start3A_58 = arith.constant 0 : i32
    %dma_start3A_59 = tpu.memref_slice %arg3[%dma_start3A_57, %dma_start3A_58] : memref<1000000x64xf32, #tpu.memory_space<hbm>> -> memref<1000000x64xf32, #tpu.memory_space<hbm>>
    %dma_start3A_60 = tpu.memref_slice %arg7[%dma_start3A_49] : memref<8x!tpu.dma_semaphore, #tpu.memory_space<semaphore_mem>> -> memref<1x!tpu.dma_semaphore, #tpu.memory_space<semaphore_mem>>
    %dma_start3A_61 = tpu.memref_squeeze %dma_start3A_60 : memref<1x!tpu.dma_semaphore, #tpu.memory_space<semaphore_mem>> -> memref<!tpu.dma_semaphore, #tpu.memory_space<semaphore_mem>>
    tpu.enqueue_indirect_dma source(%dma_start3A_59 : memref<1000000x64xf32, #tpu.memory_space<hbm>>) target(%dma_start3A_53 : memref<128x64xf32, #tpu.memory_space<vmem>>) offsets(%dma_start3A_56 : memref<128xi32, #tpu.memory_space<vmem>>) semaphore(%dma_start3A_61 : memref<!tpu.dma_semaphore, #tpu.memory_space<semaphore_mem>>)
    %dma_start3A_62 = arith.constant 4 : i32
    %dma_start3A_63 = arith.constant 4 : i32
    %dma_start3A_64 = arith.constant 4 : i32
    %dma_start3A_65 = arith.constant 0 : i32
    %dma_start3A_66 = arith.constant 0 : i32
    %dma_start3A_67 = tpu.memref_slice %arg6[%dma_start3A_63, %dma_start3A_65, %dma_start3A_66] : memref<8x128x64xf32, #tpu.memory_space<vmem>> -> memref<1x128x64xf32, #tpu.memory_space<vmem>>
    %dma_start3A_68 = tpu.memref_squeeze %dma_start3A_67 : memref<1x128x64xf32, #tpu.memory_space<vmem>> -> memref<128x64xf32, #tpu.memory_space<vmem>>
    %dma_start3A_69 = arith.constant 0 : i32
    %dma_start3A_70 = tpu.memref_slice %arg5[%dma_start3A_62, %dma_start3A_69] : memref<224x128xi32, #tpu.memory_space<vmem>> -> memref<1x128xi32, #tpu.memory_space<vmem>>
    %dma_start3A_71 = tpu.memref_squeeze %dma_start3A_70 : memref<1x128xi32, #tpu.memory_space<vmem>> -> memref<128xi32, #tpu.memory_space<vmem>>
    %dma_start3A_72 = arith.constant 0 : i32
    %dma_start3A_73 = arith.constant 0 : i32
    %dma_start3A_74 = tpu.memref_slice %arg3[%dma_start3A_72, %dma_start3A_73] : memref<1000000x64xf32, #tpu.memory_space<hbm>> -> memref<1000000x64xf32, #tpu.memory_space<hbm>>
    %dma_start3A_75 = tpu.memref_slice %arg7[%dma_start3A_64] : memref<8x!tpu.dma_semaphore, #tpu.memory_space<semaphore_mem>> -> memref<1x!tpu.dma_semaphore, #tpu.memory_space<semaphore_mem>>
    %dma_start3A_76 = tpu.memref_squeeze %dma_start3A_75 : memref<1x!tpu.dma_semaphore, #tpu.memory_space<semaphore_mem>> -> memref<!tpu.dma_semaphore, #tpu.memory_space<semaphore_mem>>
    tpu.enqueue_indirect_dma source(%dma_start3A_74 : memref<1000000x64xf32, #tpu.memory_space<hbm>>) target(%dma_start3A_68 : memref<128x64xf32, #tpu.memory_space<vmem>>) offsets(%dma_start3A_71 : memref<128xi32, #tpu.memory_space<vmem>>) semaphore(%dma_start3A_76 : memref<!tpu.dma_semaphore, #tpu.memory_space<semaphore_mem>>)
    %dma_start3A_77 = arith.constant 5 : i32
    %dma_start3A_78 = arith.constant 5 : i32
    %dma_start3A_79 = arith.constant 5 : i32
    %dma_start3A_80 = arith.constant 0 : i32
    %dma_start3A_81 = arith.constant 0 : i32
    %dma_start3A_82 = tpu.memref_slice %arg6[%dma_start3A_78, %dma_start3A_80, %dma_start3A_81] : memref<8x128x64xf32, #tpu.memory_space<vmem>> -> memref<1x128x64xf32, #tpu.memory_space<vmem>>
    %dma_start3A_83 = tpu.memref_squeeze %dma_start3A_82 : memref<1x128x64xf32, #tpu.memory_space<vmem>> -> memref<128x64xf32, #tpu.memory_space<vmem>>
    %dma_start3A_84 = arith.constant 0 : i32
    %dma_start3A_85 = tpu.memref_slice %arg5[%dma_start3A_77, %dma_start3A_84] : memref<224x128xi32, #tpu.memory_space<vmem>> -> memref<1x128xi32, #tpu.memory_space<vmem>>
    %dma_start3A_86 = tpu.memref_squeeze %dma_start3A_85 : memref<1x128xi32, #tpu.memory_space<vmem>> -> memref<128xi32, #tpu.memory_space<vmem>>
    %dma_start3A_87 = arith.constant 0 : i32
    %dma_start3A_88 = arith.constant 0 : i32
    %dma_start3A_89 = tpu.memref_slice %arg3[%dma_start3A_87, %dma_start3A_88] : memref<1000000x64xf32, #tpu.memory_space<hbm>> -> memref<1000000x64xf32, #tpu.memory_space<hbm>>
    %dma_start3A_90 = tpu.memref_slice %arg7[%dma_start3A_79] : memref<8x!tpu.dma_semaphore, #tpu.memory_space<semaphore_mem>> -> memref<1x!tpu.dma_semaphore, #tpu.memory_space<semaphore_mem>>
    %dma_start3A_91 = tpu.memref_squeeze %dma_start3A_90 : memref<1x!tpu.dma_semaphore, #tpu.memory_space<semaphore_mem>> -> memref<!tpu.dma_semaphore, #tpu.memory_space<semaphore_mem>>
    tpu.enqueue_indirect_dma source(%dma_start3A_89 : memref<1000000x64xf32, #tpu.memory_space<hbm>>) target(%dma_start3A_83 : memref<128x64xf32, #tpu.memory_space<vmem>>) offsets(%dma_start3A_86 : memref<128xi32, #tpu.memory_space<vmem>>) semaphore(%dma_start3A_91 : memref<!tpu.dma_semaphore, #tpu.memory_space<semaphore_mem>>)
    %dma_start3A_92 = arith.constant 6 : i32
    %dma_start3A_93 = arith.constant 6 : i32
    %dma_start3A_94 = arith.constant 6 : i32
    %dma_start3A_95 = arith.constant 0 : i32
    %dma_start3A_96 = arith.constant 0 : i32
    %dma_start3A_97 = tpu.memref_slice %arg6[%dma_start3A_93, %dma_start3A_95, %dma_start3A_96] : memref<8x128x64xf32, #tpu.memory_space<vmem>> -> memref<1x128x64xf32, #tpu.memory_space<vmem>>
    %dma_start3A_98 = tpu.memref_squeeze %dma_start3A_97 : memref<1x128x64xf32, #tpu.memory_space<vmem>> -> memref<128x64xf32, #tpu.memory_space<vmem>>
    %dma_start3A_99 = arith.constant 0 : i32
    %dma_start3A_100 = tpu.memref_slice %arg5[%dma_start3A_92, %dma_start3A_99] : memref<224x128xi32, #tpu.memory_space<vmem>> -> memref<1x128xi32, #tpu.memory_space<vmem>>
    %dma_start3A_101 = tpu.memref_squeeze %dma_start3A_100 : memref<1x128xi32, #tpu.memory_space<vmem>> -> memref<128xi32, #tpu.memory_space<vmem>>
    %dma_start3A_102 = arith.constant 0 : i32
    %dma_start3A_103 = arith.constant 0 : i32
    %dma_start3A_104 = tpu.memref_slice %arg3[%dma_start3A_102, %dma_start3A_103] : memref<1000000x64xf32, #tpu.memory_space<hbm>> -> memref<1000000x64xf32, #tpu.memory_space<hbm>>
    %dma_start3A_105 = tpu.memref_slice %arg7[%dma_start3A_94] : memref<8x!tpu.dma_semaphore, #tpu.memory_space<semaphore_mem>> -> memref<1x!tpu.dma_semaphore, #tpu.memory_space<semaphore_mem>>
    %dma_start3A_106 = tpu.memref_squeeze %dma_start3A_105 : memref<1x!tpu.dma_semaphore, #tpu.memory_space<semaphore_mem>> -> memref<!tpu.dma_semaphore, #tpu.memory_space<semaphore_mem>>
    tpu.enqueue_indirect_dma source(%dma_start3A_104 : memref<1000000x64xf32, #tpu.memory_space<hbm>>) target(%dma_start3A_98 : memref<128x64xf32, #tpu.memory_space<vmem>>) offsets(%dma_start3A_101 : memref<128xi32, #tpu.memory_space<vmem>>) semaphore(%dma_start3A_106 : memref<!tpu.dma_semaphore, #tpu.memory_space<semaphore_mem>>)
    %dma_start3A_107 = arith.constant 7 : i32
    %dma_start3A_108 = arith.constant 7 : i32
    %dma_start3A_109 = arith.constant 7 : i32
    %dma_start3A_110 = arith.constant 0 : i32
    %dma_start3A_111 = arith.constant 0 : i32
    %dma_start3A_112 = tpu.memref_slice %arg6[%dma_start3A_108, %dma_start3A_110, %dma_start3A_111] : memref<8x128x64xf32, #tpu.memory_space<vmem>> -> memref<1x128x64xf32, #tpu.memory_space<vmem>>
    %dma_start3A_113 = tpu.memref_squeeze %dma_start3A_112 : memref<1x128x64xf32, #tpu.memory_space<vmem>> -> memref<128x64xf32, #tpu.memory_space<vmem>>
    %dma_start3A_114 = arith.constant 0 : i32
    %dma_start3A_115 = tpu.memref_slice %arg5[%dma_start3A_107, %dma_start3A_114] : memref<224x128xi32, #tpu.memory_space<vmem>> -> memref<1x128xi32, #tpu.memory_space<vmem>>
    %dma_start3A_116 = tpu.memref_squeeze %dma_start3A_115 : memref<1x128xi32, #tpu.memory_space<vmem>> -> memref<128xi32, #tpu.memory_space<vmem>>
    %dma_start3A_117 = arith.constant 0 : i32
    %dma_start3A_118 = arith.constant 0 : i32
    %dma_start3A_119 = tpu.memref_slice %arg3[%dma_start3A_117, %dma_start3A_118] : memref<1000000x64xf32, #tpu.memory_space<hbm>> -> memref<1000000x64xf32, #tpu.memory_space<hbm>>
    %dma_start3A_120 = tpu.memref_slice %arg7[%dma_start3A_109] : memref<8x!tpu.dma_semaphore, #tpu.memory_space<semaphore_mem>> -> memref<1x!tpu.dma_semaphore, #tpu.memory_space<semaphore_mem>>
    %dma_start3A_121 = tpu.memref_squeeze %dma_start3A_120 : memref<1x!tpu.dma_semaphore, #tpu.memory_space<semaphore_mem>> -> memref<!tpu.dma_semaphore, #tpu.memory_space<semaphore_mem>>
    tpu.enqueue_indirect_dma source(%dma_start3A_119 : memref<1000000x64xf32, #tpu.memory_space<hbm>>) target(%dma_start3A_113 : memref<128x64xf32, #tpu.memory_space<vmem>>) offsets(%dma_start3A_116 : memref<128xi32, #tpu.memory_space<vmem>>) semaphore(%dma_start3A_121 : memref<!tpu.dma_semaphore, #tpu.memory_space<semaphore_mem>>)
    %scan3A = arith.constant 0 : i32
    %scan3A_122 = arith.constant 27 : i32
    %scan3A_123 = arith.addi %scan3A, %scan3A_122 : i32
    %scan3A_124 = arith.constant 1 : i32
    scf.for %scan3A_581 = %scan3A to %scan3A_123 step %scan3A_124  : i32 {
      %mul3A_582 = arith.constant 8 : i32
      %mul3A_583 = arith.muli %scan3A_581, %mul3A_582 : i32
      %add3A_584 = arith.constant 0 : i32
      %add3A_585 = arith.addi %add3A_584, %mul3A_583 : i32
      %add3A_586 = arith.constant 0 : i32
      %add3A_587 = arith.addi %add3A_585, %add3A_586 : i32
      %dma_wait3A_588 = arith.constant 0 : i32
      %dma_wait3A_589 = arith.constant 0 : i32
      %dma_wait3A_590 = arith.constant 0 : i32
      %dma_wait3A_591 = arith.constant 0 : i32
      %dma_wait3A_592 = tpu.memref_slice %arg6[%dma_wait3A_588, %dma_wait3A_590, %dma_wait3A_591] : memref<8x128x64xf32, #tpu.memory_space<vmem>> -> memref<1x128x64xf32, #tpu.memory_space<vmem>>
      %dma_wait3A_593 = tpu.memref_squeeze %dma_wait3A_592 : memref<1x128x64xf32, #tpu.memory_space<vmem>> -> memref<128x64xf32, #tpu.memory_space<vmem>>
      %dma_wait3A_594 = arith.constant 0 : i32
      %dma_wait3A_595 = tpu.memref_slice %arg5[%add3A_587, %dma_wait3A_594] : memref<224x128xi32, #tpu.memory_space<vmem>> -> memref<1x128xi32, #tpu.memory_space<vmem>>
      %dma_wait3A_596 = tpu.memref_squeeze %dma_wait3A_595 : memref<1x128xi32, #tpu.memory_space<vmem>> -> memref<128xi32, #tpu.memory_space<vmem>>
      %dma_wait3A_597 = arith.constant 0 : i32
      %dma_wait3A_598 = arith.constant 0 : i32
      %dma_wait3A_599 = tpu.memref_slice %arg3[%dma_wait3A_597, %dma_wait3A_598] : memref<1000000x64xf32, #tpu.memory_space<hbm>> -> memref<1000000x64xf32, #tpu.memory_space<hbm>>
      %dma_wait3A_600 = tpu.memref_slice %arg7[%dma_wait3A_589] : memref<8x!tpu.dma_semaphore, #tpu.memory_space<semaphore_mem>> -> memref<1x!tpu.dma_semaphore, #tpu.memory_space<semaphore_mem>>
      %dma_wait3A_601 = tpu.memref_squeeze %dma_wait3A_600 : memref<1x!tpu.dma_semaphore, #tpu.memory_space<semaphore_mem>> -> memref<!tpu.dma_semaphore, #tpu.memory_space<semaphore_mem>>
      tpu.wait_indirect_dma semaphore(%dma_wait3A_601 : memref<!tpu.dma_semaphore, #tpu.memory_space<semaphore_mem>>) src(%dma_wait3A_599 : memref<1000000x64xf32, #tpu.memory_space<hbm>>) dst(%dma_wait3A_593 : memref<128x64xf32, #tpu.memory_space<vmem>>)
      %add3A_602 = arith.constant 0 : i32
      %add3A_603 = arith.addi %add3A_585, %add3A_602 : i32
      %dma_start3A_604 = arith.constant 0 : i32
      %dma_start3A_605 = arith.constant 0 : i32
      %dma_start3A_606 = arith.constant 0 : i32
      %dma_start3A_607 = arith.constant 0 : i32
      %dma_start3A_608 = tpu.memref_slice %arg6[%dma_start3A_604, %dma_start3A_606, %dma_start3A_607] : memref<8x128x64xf32, #tpu.memory_space<vmem>> -> memref<1x128x64xf32, #tpu.memory_space<vmem>>
      %dma_start3A_609 = tpu.memref_squeeze %dma_start3A_608 : memref<1x128x64xf32, #tpu.memory_space<vmem>> -> memref<128x64xf32, #tpu.memory_space<vmem>>
      %dma_start3A_610 = arith.constant 0 : i32
      %dma_start3A_611 = arith.constant 0 : i32
      %dma_start3A_612 = tpu.memref_slice %arg4[%add3A, %add3A_603, %dma_start3A_610, %dma_start3A_611] : memref<32x224x128x128xf32, #tpu.memory_space<hbm>> -> memref<1x1x128x64xf32, #tpu.memory_space<hbm>>
      %dma_start3A_613 = tpu.memref_squeeze %dma_start3A_612 : memref<1x1x128x64xf32, #tpu.memory_space<hbm>> -> memref<128x64xf32, #tpu.memory_space<hbm>>
      %dma_start3A_614 = tpu.memref_slice %arg8[%dma_start3A_605] : memref<8x!tpu.dma_semaphore, #tpu.memory_space<semaphore_mem>> -> memref<1x!tpu.dma_semaphore, #tpu.memory_space<semaphore_mem>>
      %dma_start3A_615 = tpu.memref_squeeze %dma_start3A_614 : memref<1x!tpu.dma_semaphore, #tpu.memory_space<semaphore_mem>> -> memref<!tpu.dma_semaphore, #tpu.memory_space<semaphore_mem>>
      %dma_start3A_616 = arith.constant 0 : i32
      %dma_start3A_617 = arith.constant 0 : i32
      %dma_start3A_618 = tpu.memref_slice %arg4[%add3A, %add3A_603, %dma_start3A_616, %dma_start3A_617] : memref<32x224x128x128xf32, #tpu.memory_space<hbm>> -> memref<1x1x128x64xf32, #tpu.memory_space<hbm>>
      %dma_start3A_619 = tpu.memref_squeeze %dma_start3A_618 : memref<1x1x128x64xf32, #tpu.memory_space<hbm>> -> memref<128x64xf32, #tpu.memory_space<hbm>>
      %dma_start3A_620 = arith.constant 0 : i32
      %dma_start3A_621 = arith.constant 0 : i32
      %dma_start3A_622 = tpu.memref_slice %arg6[%dma_start3A_604, %dma_start3A_620, %dma_start3A_621] : memref<8x128x64xf32, #tpu.memory_space<vmem>> -> memref<1x128x64xf32, #tpu.memory_space<vmem>>
      %dma_start3A_623 = tpu.memref_squeeze %dma_start3A_622 : memref<1x128x64xf32, #tpu.memory_space<vmem>> -> memref<128x64xf32, #tpu.memory_space<vmem>>
      tpu.enqueue_dma source(%dma_start3A_623 : memref<128x64xf32, #tpu.memory_space<vmem>>) target(%dma_start3A_619 : memref<128x64xf32, #tpu.memory_space<hbm>>) target_semaphore(%dma_start3A_615 : memref<!tpu.dma_semaphore, #tpu.memory_space<semaphore_mem>>)
      %add3A_624 = arith.constant 1 : i32
      %add3A_625 = arith.addi %add3A_585, %add3A_624 : i32
      %dma_wait3A_626 = arith.constant 1 : i32
      %dma_wait3A_627 = arith.constant 1 : i32
      %dma_wait3A_628 = arith.constant 0 : i32
      %dma_wait3A_629 = arith.constant 0 : i32
      %dma_wait3A_630 = tpu.memref_slice %arg6[%dma_wait3A_626, %dma_wait3A_628, %dma_wait3A_629] : memref<8x128x64xf32, #tpu.memory_space<vmem>> -> memref<1x128x64xf32, #tpu.memory_space<vmem>>
      %dma_wait3A_631 = tpu.memref_squeeze %dma_wait3A_630 : memref<1x128x64xf32, #tpu.memory_space<vmem>> -> memref<128x64xf32, #tpu.memory_space<vmem>>
      %dma_wait3A_632 = arith.constant 0 : i32
      %dma_wait3A_633 = tpu.memref_slice %arg5[%add3A_625, %dma_wait3A_632] : memref<224x128xi32, #tpu.memory_space<vmem>> -> memref<1x128xi32, #tpu.memory_space<vmem>>
      %dma_wait3A_634 = tpu.memref_squeeze %dma_wait3A_633 : memref<1x128xi32, #tpu.memory_space<vmem>> -> memref<128xi32, #tpu.memory_space<vmem>>
      %dma_wait3A_635 = arith.constant 0 : i32
      %dma_wait3A_636 = arith.constant 0 : i32
      %dma_wait3A_637 = tpu.memref_slice %arg3[%dma_wait3A_635, %dma_wait3A_636] : memref<1000000x64xf32, #tpu.memory_space<hbm>> -> memref<1000000x64xf32, #tpu.memory_space<hbm>>
      %dma_wait3A_638 = tpu.memref_slice %arg7[%dma_wait3A_627] : memref<8x!tpu.dma_semaphore, #tpu.memory_space<semaphore_mem>> -> memref<1x!tpu.dma_semaphore, #tpu.memory_space<semaphore_mem>>
      %dma_wait3A_639 = tpu.memref_squeeze %dma_wait3A_638 : memref<1x!tpu.dma_semaphore, #tpu.memory_space<semaphore_mem>> -> memref<!tpu.dma_semaphore, #tpu.memory_space<semaphore_mem>>
      tpu.wait_indirect_dma semaphore(%dma_wait3A_639 : memref<!tpu.dma_semaphore, #tpu.memory_space<semaphore_mem>>) src(%dma_wait3A_637 : memref<1000000x64xf32, #tpu.memory_space<hbm>>) dst(%dma_wait3A_631 : memref<128x64xf32, #tpu.memory_space<vmem>>)
      %add3A_640 = arith.constant 1 : i32
      %add3A_641 = arith.addi %add3A_585, %add3A_640 : i32
      %dma_start3A_642 = arith.constant 1 : i32
      %dma_start3A_643 = arith.constant 1 : i32
      %dma_start3A_644 = arith.constant 0 : i32
      %dma_start3A_645 = arith.constant 0 : i32
      %dma_start3A_646 = tpu.memref_slice %arg6[%dma_start3A_642, %dma_start3A_644, %dma_start3A_645] : memref<8x128x64xf32, #tpu.memory_space<vmem>> -> memref<1x128x64xf32, #tpu.memory_space<vmem>>
      %dma_start3A_647 = tpu.memref_squeeze %dma_start3A_646 : memref<1x128x64xf32, #tpu.memory_space<vmem>> -> memref<128x64xf32, #tpu.memory_space<vmem>>
      %dma_start3A_648 = arith.constant 0 : i32
      %dma_start3A_649 = arith.constant 0 : i32
      %dma_start3A_650 = tpu.memref_slice %arg4[%add3A, %add3A_641, %dma_start3A_648, %dma_start3A_649] : memref<32x224x128x128xf32, #tpu.memory_space<hbm>> -> memref<1x1x128x64xf32, #tpu.memory_space<hbm>>
      %dma_start3A_651 = tpu.memref_squeeze %dma_start3A_650 : memref<1x1x128x64xf32, #tpu.memory_space<hbm>> -> memref<128x64xf32, #tpu.memory_space<hbm>>
      %dma_start3A_652 = tpu.memref_slice %arg8[%dma_start3A_643] : memref<8x!tpu.dma_semaphore, #tpu.memory_space<semaphore_mem>> -> memref<1x!tpu.dma_semaphore, #tpu.memory_space<semaphore_mem>>
      %dma_start3A_653 = tpu.memref_squeeze %dma_start3A_652 : memref<1x!tpu.dma_semaphore, #tpu.memory_space<semaphore_mem>> -> memref<!tpu.dma_semaphore, #tpu.memory_space<semaphore_mem>>
      %dma_start3A_654 = arith.constant 0 : i32
      %dma_start3A_655 = arith.constant 0 : i32
      %dma_start3A_656 = tpu.memref_slice %arg4[%add3A, %add3A_641, %dma_start3A_654, %dma_start3A_655] : memref<32x224x128x128xf32, #tpu.memory_space<hbm>> -> memref<1x1x128x64xf32, #tpu.memory_space<hbm>>
      %dma_start3A_657 = tpu.memref_squeeze %dma_start3A_656 : memref<1x1x128x64xf32, #tpu.memory_space<hbm>> -> memref<128x64xf32, #tpu.memory_space<hbm>>
      %dma_start3A_658 = arith.constant 0 : i32
      %dma_start3A_659 = arith.constant 0 : i32
      %dma_start3A_660 = tpu.memref_slice %arg6[%dma_start3A_642, %dma_start3A_658, %dma_start3A_659] : memref<8x128x64xf32, #tpu.memory_space<vmem>> -> memref<1x128x64xf32, #tpu.memory_space<vmem>>
      %dma_start3A_661 = tpu.memref_squeeze %dma_start3A_660 : memref<1x128x64xf32, #tpu.memory_space<vmem>> -> memref<128x64xf32, #tpu.memory_space<vmem>>
      tpu.enqueue_dma source(%dma_start3A_661 : memref<128x64xf32, #tpu.memory_space<vmem>>) target(%dma_start3A_657 : memref<128x64xf32, #tpu.memory_space<hbm>>) target_semaphore(%dma_start3A_653 : memref<!tpu.dma_semaphore, #tpu.memory_space<semaphore_mem>>)
      %add3A_662 = arith.constant 2 : i32
      %add3A_663 = arith.addi %add3A_585, %add3A_662 : i32
      %dma_wait3A_664 = arith.constant 2 : i32
      %dma_wait3A_665 = arith.constant 2 : i32
      %dma_wait3A_666 = arith.constant 0 : i32
      %dma_wait3A_667 = arith.constant 0 : i32
      %dma_wait3A_668 = tpu.memref_slice %arg6[%dma_wait3A_664, %dma_wait3A_666, %dma_wait3A_667] : memref<8x128x64xf32, #tpu.memory_space<vmem>> -> memref<1x128x64xf32, #tpu.memory_space<vmem>>
      %dma_wait3A_669 = tpu.memref_squeeze %dma_wait3A_668 : memref<1x128x64xf32, #tpu.memory_space<vmem>> -> memref<128x64xf32, #tpu.memory_space<vmem>>
      %dma_wait3A_670 = arith.constant 0 : i32
      %dma_wait3A_671 = tpu.memref_slice %arg5[%add3A_663, %dma_wait3A_670] : memref<224x128xi32, #tpu.memory_space<vmem>> -> memref<1x128xi32, #tpu.memory_space<vmem>>
      %dma_wait3A_672 = tpu.memref_squeeze %dma_wait3A_671 : memref<1x128xi32, #tpu.memory_space<vmem>> -> memref<128xi32, #tpu.memory_space<vmem>>
      %dma_wait3A_673 = arith.constant 0 : i32
      %dma_wait3A_674 = arith.constant 0 : i32
      %dma_wait3A_675 = tpu.memref_slice %arg3[%dma_wait3A_673, %dma_wait3A_674] : memref<1000000x64xf32, #tpu.memory_space<hbm>> -> memref<1000000x64xf32, #tpu.memory_space<hbm>>
      %dma_wait3A_676 = tpu.memref_slice %arg7[%dma_wait3A_665] : memref<8x!tpu.dma_semaphore, #tpu.memory_space<semaphore_mem>> -> memref<1x!tpu.dma_semaphore, #tpu.memory_space<semaphore_mem>>
      %dma_wait3A_677 = tpu.memref_squeeze %dma_wait3A_676 : memref<1x!tpu.dma_semaphore, #tpu.memory_space<semaphore_mem>> -> memref<!tpu.dma_semaphore, #tpu.memory_space<semaphore_mem>>
      tpu.wait_indirect_dma semaphore(%dma_wait3A_677 : memref<!tpu.dma_semaphore, #tpu.memory_space<semaphore_mem>>) src(%dma_wait3A_675 : memref<1000000x64xf32, #tpu.memory_space<hbm>>) dst(%dma_wait3A_669 : memref<128x64xf32, #tpu.memory_space<vmem>>)
      %add3A_678 = arith.constant 2 : i32
      %add3A_679 = arith.addi %add3A_585, %add3A_678 : i32
      %dma_start3A_680 = arith.constant 2 : i32
      %dma_start3A_681 = arith.constant 2 : i32
      %dma_start3A_682 = arith.constant 0 : i32
      %dma_start3A_683 = arith.constant 0 : i32
      %dma_start3A_684 = tpu.memref_slice %arg6[%dma_start3A_680, %dma_start3A_682, %dma_start3A_683] : memref<8x128x64xf32, #tpu.memory_space<vmem>> -> memref<1x128x64xf32, #tpu.memory_space<vmem>>
      %dma_start3A_685 = tpu.memref_squeeze %dma_start3A_684 : memref<1x128x64xf32, #tpu.memory_space<vmem>> -> memref<128x64xf32, #tpu.memory_space<vmem>>
      %dma_start3A_686 = arith.constant 0 : i32
      %dma_start3A_687 = arith.constant 0 : i32
      %dma_start3A_688 = tpu.memref_slice %arg4[%add3A, %add3A_679, %dma_start3A_686, %dma_start3A_687] : memref<32x224x128x128xf32, #tpu.memory_space<hbm>> -> memref<1x1x128x64xf32, #tpu.memory_space<hbm>>
      %dma_start3A_689 = tpu.memref_squeeze %dma_start3A_688 : memref<1x1x128x64xf32, #tpu.memory_space<hbm>> -> memref<128x64xf32, #tpu.memory_space<hbm>>
      %dma_start3A_690 = tpu.memref_slice %arg8[%dma_start3A_681] : memref<8x!tpu.dma_semaphore, #tpu.memory_space<semaphore_mem>> -> memref<1x!tpu.dma_semaphore, #tpu.memory_space<semaphore_mem>>
      %dma_start3A_691 = tpu.memref_squeeze %dma_start3A_690 : memref<1x!tpu.dma_semaphore, #tpu.memory_space<semaphore_mem>> -> memref<!tpu.dma_semaphore, #tpu.memory_space<semaphore_mem>>
      %dma_start3A_692 = arith.constant 0 : i32
      %dma_start3A_693 = arith.constant 0 : i32
      %dma_start3A_694 = tpu.memref_slice %arg4[%add3A, %add3A_679, %dma_start3A_692, %dma_start3A_693] : memref<32x224x128x128xf32, #tpu.memory_space<hbm>> -> memref<1x1x128x64xf32, #tpu.memory_space<hbm>>
      %dma_start3A_695 = tpu.memref_squeeze %dma_start3A_694 : memref<1x1x128x64xf32, #tpu.memory_space<hbm>> -> memref<128x64xf32, #tpu.memory_space<hbm>>
      %dma_start3A_696 = arith.constant 0 : i32
      %dma_start3A_697 = arith.constant 0 : i32
      %dma_start3A_698 = tpu.memref_slice %arg6[%dma_start3A_680, %dma_start3A_696, %dma_start3A_697] : memref<8x128x64xf32, #tpu.memory_space<vmem>> -> memref<1x128x64xf32, #tpu.memory_space<vmem>>
      %dma_start3A_699 = tpu.memref_squeeze %dma_start3A_698 : memref<1x128x64xf32, #tpu.memory_space<vmem>> -> memref<128x64xf32, #tpu.memory_space<vmem>>
      tpu.enqueue_dma source(%dma_start3A_699 : memref<128x64xf32, #tpu.memory_space<vmem>>) target(%dma_start3A_695 : memref<128x64xf32, #tpu.memory_space<hbm>>) target_semaphore(%dma_start3A_691 : memref<!tpu.dma_semaphore, #tpu.memory_space<semaphore_mem>>)
      %add3A_700 = arith.constant 3 : i32
      %add3A_701 = arith.addi %add3A_585, %add3A_700 : i32
      %dma_wait3A_702 = arith.constant 3 : i32
      %dma_wait3A_703 = arith.constant 3 : i32
      %dma_wait3A_704 = arith.constant 0 : i32
      %dma_wait3A_705 = arith.constant 0 : i32
      %dma_wait3A_706 = tpu.memref_slice %arg6[%dma_wait3A_702, %dma_wait3A_704, %dma_wait3A_705] : memref<8x128x64xf32, #tpu.memory_space<vmem>> -> memref<1x128x64xf32, #tpu.memory_space<vmem>>
      %dma_wait3A_707 = tpu.memref_squeeze %dma_wait3A_706 : memref<1x128x64xf32, #tpu.memory_space<vmem>> -> memref<128x64xf32, #tpu.memory_space<vmem>>
      %dma_wait3A_708 = arith.constant 0 : i32
      %dma_wait3A_709 = tpu.memref_slice %arg5[%add3A_701, %dma_wait3A_708] : memref<224x128xi32, #tpu.memory_space<vmem>> -> memref<1x128xi32, #tpu.memory_space<vmem>>
      %dma_wait3A_710 = tpu.memref_squeeze %dma_wait3A_709 : memref<1x128xi32, #tpu.memory_space<vmem>> -> memref<128xi32, #tpu.memory_space<vmem>>
      %dma_wait3A_711 = arith.constant 0 : i32
      %dma_wait3A_712 = arith.constant 0 : i32
      %dma_wait3A_713 = tpu.memref_slice %arg3[%dma_wait3A_711, %dma_wait3A_712] : memref<1000000x64xf32, #tpu.memory_space<hbm>> -> memref<1000000x64xf32, #tpu.memory_space<hbm>>
      %dma_wait3A_714 = tpu.memref_slice %arg7[%dma_wait3A_703] : memref<8x!tpu.dma_semaphore, #tpu.memory_space<semaphore_mem>> -> memref<1x!tpu.dma_semaphore, #tpu.memory_space<semaphore_mem>>
      %dma_wait3A_715 = tpu.memref_squeeze %dma_wait3A_714 : memref<1x!tpu.dma_semaphore, #tpu.memory_space<semaphore_mem>> -> memref<!tpu.dma_semaphore, #tpu.memory_space<semaphore_mem>>
      tpu.wait_indirect_dma semaphore(%dma_wait3A_715 : memref<!tpu.dma_semaphore, #tpu.memory_space<semaphore_mem>>) src(%dma_wait3A_713 : memref<1000000x64xf32, #tpu.memory_space<hbm>>) dst(%dma_wait3A_707 : memref<128x64xf32, #tpu.memory_space<vmem>>)
      %add3A_716 = arith.constant 3 : i32
      %add3A_717 = arith.addi %add3A_585, %add3A_716 : i32
      %dma_start3A_718 = arith.constant 3 : i32
      %dma_start3A_719 = arith.constant 3 : i32
      %dma_start3A_720 = arith.constant 0 : i32
      %dma_start3A_721 = arith.constant 0 : i32
      %dma_start3A_722 = tpu.memref_slice %arg6[%dma_start3A_718, %dma_start3A_720, %dma_start3A_721] : memref<8x128x64xf32, #tpu.memory_space<vmem>> -> memref<1x128x64xf32, #tpu.memory_space<vmem>>
      %dma_start3A_723 = tpu.memref_squeeze %dma_start3A_722 : memref<1x128x64xf32, #tpu.memory_space<vmem>> -> memref<128x64xf32, #tpu.memory_space<vmem>>
      %dma_start3A_724 = arith.constant 0 : i32
      %dma_start3A_725 = arith.constant 0 : i32
      %dma_start3A_726 = tpu.memref_slice %arg4[%add3A, %add3A_717, %dma_start3A_724, %dma_start3A_725] : memref<32x224x128x128xf32, #tpu.memory_space<hbm>> -> memref<1x1x128x64xf32, #tpu.memory_space<hbm>>
      %dma_start3A_727 = tpu.memref_squeeze %dma_start3A_726 : memref<1x1x128x64xf32, #tpu.memory_space<hbm>> -> memref<128x64xf32, #tpu.memory_space<hbm>>
      %dma_start3A_728 = tpu.memref_slice %arg8[%dma_start3A_719] : memref<8x!tpu.dma_semaphore, #tpu.memory_space<semaphore_mem>> -> memref<1x!tpu.dma_semaphore, #tpu.memory_space<semaphore_mem>>
      %dma_start3A_729 = tpu.memref_squeeze %dma_start3A_728 : memref<1x!tpu.dma_semaphore, #tpu.memory_space<semaphore_mem>> -> memref<!tpu.dma_semaphore, #tpu.memory_space<semaphore_mem>>
      %dma_start3A_730 = arith.constant 0 : i32
      %dma_start3A_731 = arith.constant 0 : i32
      %dma_start3A_732 = tpu.memref_slice %arg4[%add3A, %add3A_717, %dma_start3A_730, %dma_start3A_731] : memref<32x224x128x128xf32, #tpu.memory_space<hbm>> -> memref<1x1x128x64xf32, #tpu.memory_space<hbm>>
      %dma_start3A_733 = tpu.memref_squeeze %dma_start3A_732 : memref<1x1x128x64xf32, #tpu.memory_space<hbm>> -> memref<128x64xf32, #tpu.memory_space<hbm>>
      %dma_start3A_734 = arith.constant 0 : i32
      %dma_start3A_735 = arith.constant 0 : i32
      %dma_start3A_736 = tpu.memref_slice %arg6[%dma_start3A_718, %dma_start3A_734, %dma_start3A_735] : memref<8x128x64xf32, #tpu.memory_space<vmem>> -> memref<1x128x64xf32, #tpu.memory_space<vmem>>
      %dma_start3A_737 = tpu.memref_squeeze %dma_start3A_736 : memref<1x128x64xf32, #tpu.memory_space<vmem>> -> memref<128x64xf32, #tpu.memory_space<vmem>>
      tpu.enqueue_dma source(%dma_start3A_737 : memref<128x64xf32, #tpu.memory_space<vmem>>) target(%dma_start3A_733 : memref<128x64xf32, #tpu.memory_space<hbm>>) target_semaphore(%dma_start3A_729 : memref<!tpu.dma_semaphore, #tpu.memory_space<semaphore_mem>>)
      %add3A_738 = arith.constant 4 : i32
      %add3A_739 = arith.addi %add3A_585, %add3A_738 : i32
      %dma_wait3A_740 = arith.constant 4 : i32
      %dma_wait3A_741 = arith.constant 4 : i32
      %dma_wait3A_742 = arith.constant 0 : i32
      %dma_wait3A_743 = arith.constant 0 : i32
      %dma_wait3A_744 = tpu.memref_slice %arg6[%dma_wait3A_740, %dma_wait3A_742, %dma_wait3A_743] : memref<8x128x64xf32, #tpu.memory_space<vmem>> -> memref<1x128x64xf32, #tpu.memory_space<vmem>>
      %dma_wait3A_745 = tpu.memref_squeeze %dma_wait3A_744 : memref<1x128x64xf32, #tpu.memory_space<vmem>> -> memref<128x64xf32, #tpu.memory_space<vmem>>
      %dma_wait3A_746 = arith.constant 0 : i32
      %dma_wait3A_747 = tpu.memref_slice %arg5[%add3A_739, %dma_wait3A_746] : memref<224x128xi32, #tpu.memory_space<vmem>> -> memref<1x128xi32, #tpu.memory_space<vmem>>
      %dma_wait3A_748 = tpu.memref_squeeze %dma_wait3A_747 : memref<1x128xi32, #tpu.memory_space<vmem>> -> memref<128xi32, #tpu.memory_space<vmem>>
      %dma_wait3A_749 = arith.constant 0 : i32
      %dma_wait3A_750 = arith.constant 0 : i32
      %dma_wait3A_751 = tpu.memref_slice %arg3[%dma_wait3A_749, %dma_wait3A_750] : memref<1000000x64xf32, #tpu.memory_space<hbm>> -> memref<1000000x64xf32, #tpu.memory_space<hbm>>
      %dma_wait3A_752 = tpu.memref_slice %arg7[%dma_wait3A_741] : memref<8x!tpu.dma_semaphore, #tpu.memory_space<semaphore_mem>> -> memref<1x!tpu.dma_semaphore, #tpu.memory_space<semaphore_mem>>
      %dma_wait3A_753 = tpu.memref_squeeze %dma_wait3A_752 : memref<1x!tpu.dma_semaphore, #tpu.memory_space<semaphore_mem>> -> memref<!tpu.dma_semaphore, #tpu.memory_space<semaphore_mem>>
      tpu.wait_indirect_dma semaphore(%dma_wait3A_753 : memref<!tpu.dma_semaphore, #tpu.memory_space<semaphore_mem>>) src(%dma_wait3A_751 : memref<1000000x64xf32, #tpu.memory_space<hbm>>) dst(%dma_wait3A_745 : memref<128x64xf32, #tpu.memory_space<vmem>>)
      %add3A_754 = arith.constant 4 : i32
      %add3A_755 = arith.addi %add3A_585, %add3A_754 : i32
      %dma_start3A_756 = arith.constant 4 : i32
      %dma_start3A_757 = arith.constant 4 : i32
      %dma_start3A_758 = arith.constant 0 : i32
      %dma_start3A_759 = arith.constant 0 : i32
      %dma_start3A_760 = tpu.memref_slice %arg6[%dma_start3A_756, %dma_start3A_758, %dma_start3A_759] : memref<8x128x64xf32, #tpu.memory_space<vmem>> -> memref<1x128x64xf32, #tpu.memory_space<vmem>>
      %dma_start3A_761 = tpu.memref_squeeze %dma_start3A_760 : memref<1x128x64xf32, #tpu.memory_space<vmem>> -> memref<128x64xf32, #tpu.memory_space<vmem>>
      %dma_start3A_762 = arith.constant 0 : i32
      %dma_start3A_763 = arith.constant 0 : i32
      %dma_start3A_764 = tpu.memref_slice %arg4[%add3A, %add3A_755, %dma_start3A_762, %dma_start3A_763] : memref<32x224x128x128xf32, #tpu.memory_space<hbm>> -> memref<1x1x128x64xf32, #tpu.memory_space<hbm>>
      %dma_start3A_765 = tpu.memref_squeeze %dma_start3A_764 : memref<1x1x128x64xf32, #tpu.memory_space<hbm>> -> memref<128x64xf32, #tpu.memory_space<hbm>>
      %dma_start3A_766 = tpu.memref_slice %arg8[%dma_start3A_757] : memref<8x!tpu.dma_semaphore, #tpu.memory_space<semaphore_mem>> -> memref<1x!tpu.dma_semaphore, #tpu.memory_space<semaphore_mem>>
      %dma_start3A_767 = tpu.memref_squeeze %dma_start3A_766 : memref<1x!tpu.dma_semaphore, #tpu.memory_space<semaphore_mem>> -> memref<!tpu.dma_semaphore, #tpu.memory_space<semaphore_mem>>
      %dma_start3A_768 = arith.constant 0 : i32
      %dma_start3A_769 = arith.constant 0 : i32
      %dma_start3A_770 = tpu.memref_slice %arg4[%add3A, %add3A_755, %dma_start3A_768, %dma_start3A_769] : memref<32x224x128x128xf32, #tpu.memory_space<hbm>> -> memref<1x1x128x64xf32, #tpu.memory_space<hbm>>
      %dma_start3A_771 = tpu.memref_squeeze %dma_start3A_770 : memref<1x1x128x64xf32, #tpu.memory_space<hbm>> -> memref<128x64xf32, #tpu.memory_space<hbm>>
      %dma_start3A_772 = arith.constant 0 : i32
      %dma_start3A_773 = arith.constant 0 : i32
      %dma_start3A_774 = tpu.memref_slice %arg6[%dma_start3A_756, %dma_start3A_772, %dma_start3A_773] : memref<8x128x64xf32, #tpu.memory_space<vmem>> -> memref<1x128x64xf32, #tpu.memory_space<vmem>>
      %dma_start3A_775 = tpu.memref_squeeze %dma_start3A_774 : memref<1x128x64xf32, #tpu.memory_space<vmem>> -> memref<128x64xf32, #tpu.memory_space<vmem>>
      tpu.enqueue_dma source(%dma_start3A_775 : memref<128x64xf32, #tpu.memory_space<vmem>>) target(%dma_start3A_771 : memref<128x64xf32, #tpu.memory_space<hbm>>) target_semaphore(%dma_start3A_767 : memref<!tpu.dma_semaphore, #tpu.memory_space<semaphore_mem>>)
      %add3A_776 = arith.constant 5 : i32
      %add3A_777 = arith.addi %add3A_585, %add3A_776 : i32
      %dma_wait3A_778 = arith.constant 5 : i32
      %dma_wait3A_779 = arith.constant 5 : i32
      %dma_wait3A_780 = arith.constant 0 : i32
      %dma_wait3A_781 = arith.constant 0 : i32
      %dma_wait3A_782 = tpu.memref_slice %arg6[%dma_wait3A_778, %dma_wait3A_780, %dma_wait3A_781] : memref<8x128x64xf32, #tpu.memory_space<vmem>> -> memref<1x128x64xf32, #tpu.memory_space<vmem>>
      %dma_wait3A_783 = tpu.memref_squeeze %dma_wait3A_782 : memref<1x128x64xf32, #tpu.memory_space<vmem>> -> memref<128x64xf32, #tpu.memory_space<vmem>>
      %dma_wait3A_784 = arith.constant 0 : i32
      %dma_wait3A_785 = tpu.memref_slice %arg5[%add3A_777, %dma_wait3A_784] : memref<224x128xi32, #tpu.memory_space<vmem>> -> memref<1x128xi32, #tpu.memory_space<vmem>>
      %dma_wait3A_786 = tpu.memref_squeeze %dma_wait3A_785 : memref<1x128xi32, #tpu.memory_space<vmem>> -> memref<128xi32, #tpu.memory_space<vmem>>
      %dma_wait3A_787 = arith.constant 0 : i32
      %dma_wait3A_788 = arith.constant 0 : i32
      %dma_wait3A_789 = tpu.memref_slice %arg3[%dma_wait3A_787, %dma_wait3A_788] : memref<1000000x64xf32, #tpu.memory_space<hbm>> -> memref<1000000x64xf32, #tpu.memory_space<hbm>>
      %dma_wait3A_790 = tpu.memref_slice %arg7[%dma_wait3A_779] : memref<8x!tpu.dma_semaphore, #tpu.memory_space<semaphore_mem>> -> memref<1x!tpu.dma_semaphore, #tpu.memory_space<semaphore_mem>>
      %dma_wait3A_791 = tpu.memref_squeeze %dma_wait3A_790 : memref<1x!tpu.dma_semaphore, #tpu.memory_space<semaphore_mem>> -> memref<!tpu.dma_semaphore, #tpu.memory_space<semaphore_mem>>
      tpu.wait_indirect_dma semaphore(%dma_wait3A_791 : memref<!tpu.dma_semaphore, #tpu.memory_space<semaphore_mem>>) src(%dma_wait3A_789 : memref<1000000x64xf32, #tpu.memory_space<hbm>>) dst(%dma_wait3A_783 : memref<128x64xf32, #tpu.memory_space<vmem>>)
      %add3A_792 = arith.constant 5 : i32
      %add3A_793 = arith.addi %add3A_585, %add3A_792 : i32
      %dma_start3A_794 = arith.constant 5 : i32
      %dma_start3A_795 = arith.constant 5 : i32
      %dma_start3A_796 = arith.constant 0 : i32
      %dma_start3A_797 = arith.constant 0 : i32
      %dma_start3A_798 = tpu.memref_slice %arg6[%dma_start3A_794, %dma_start3A_796, %dma_start3A_797] : memref<8x128x64xf32, #tpu.memory_space<vmem>> -> memref<1x128x64xf32, #tpu.memory_space<vmem>>
      %dma_start3A_799 = tpu.memref_squeeze %dma_start3A_798 : memref<1x128x64xf32, #tpu.memory_space<vmem>> -> memref<128x64xf32, #tpu.memory_space<vmem>>
      %dma_start3A_800 = arith.constant 0 : i32
      %dma_start3A_801 = arith.constant 0 : i32
      %dma_start3A_802 = tpu.memref_slice %arg4[%add3A, %add3A_793, %dma_start3A_800, %dma_start3A_801] : memref<32x224x128x128xf32, #tpu.memory_space<hbm>> -> memref<1x1x128x64xf32, #tpu.memory_space<hbm>>
      %dma_start3A_803 = tpu.memref_squeeze %dma_start3A_802 : memref<1x1x128x64xf32, #tpu.memory_space<hbm>> -> memref<128x64xf32, #tpu.memory_space<hbm>>
      %dma_start3A_804 = tpu.memref_slice %arg8[%dma_start3A_795] : memref<8x!tpu.dma_semaphore, #tpu.memory_space<semaphore_mem>> -> memref<1x!tpu.dma_semaphore, #tpu.memory_space<semaphore_mem>>
      %dma_start3A_805 = tpu.memref_squeeze %dma_start3A_804 : memref<1x!tpu.dma_semaphore, #tpu.memory_space<semaphore_mem>> -> memref<!tpu.dma_semaphore, #tpu.memory_space<semaphore_mem>>
      %dma_start3A_806 = arith.constant 0 : i32
      %dma_start3A_807 = arith.constant 0 : i32
      %dma_start3A_808 = tpu.memref_slice %arg4[%add3A, %add3A_793, %dma_start3A_806, %dma_start3A_807] : memref<32x224x128x128xf32, #tpu.memory_space<hbm>> -> memref<1x1x128x64xf32, #tpu.memory_space<hbm>>
      %dma_start3A_809 = tpu.memref_squeeze %dma_start3A_808 : memref<1x1x128x64xf32, #tpu.memory_space<hbm>> -> memref<128x64xf32, #tpu.memory_space<hbm>>
      %dma_start3A_810 = arith.constant 0 : i32
      %dma_start3A_811 = arith.constant 0 : i32
      %dma_start3A_812 = tpu.memref_slice %arg6[%dma_start3A_794, %dma_start3A_810, %dma_start3A_811] : memref<8x128x64xf32, #tpu.memory_space<vmem>> -> memref<1x128x64xf32, #tpu.memory_space<vmem>>
      %dma_start3A_813 = tpu.memref_squeeze %dma_start3A_812 : memref<1x128x64xf32, #tpu.memory_space<vmem>> -> memref<128x64xf32, #tpu.memory_space<vmem>>
      tpu.enqueue_dma source(%dma_start3A_813 : memref<128x64xf32, #tpu.memory_space<vmem>>) target(%dma_start3A_809 : memref<128x64xf32, #tpu.memory_space<hbm>>) target_semaphore(%dma_start3A_805 : memref<!tpu.dma_semaphore, #tpu.memory_space<semaphore_mem>>)
      %add3A_814 = arith.constant 6 : i32
      %add3A_815 = arith.addi %add3A_585, %add3A_814 : i32
      %dma_wait3A_816 = arith.constant 6 : i32
      %dma_wait3A_817 = arith.constant 6 : i32
      %dma_wait3A_818 = arith.constant 0 : i32
      %dma_wait3A_819 = arith.constant 0 : i32
      %dma_wait3A_820 = tpu.memref_slice %arg6[%dma_wait3A_816, %dma_wait3A_818, %dma_wait3A_819] : memref<8x128x64xf32, #tpu.memory_space<vmem>> -> memref<1x128x64xf32, #tpu.memory_space<vmem>>
      %dma_wait3A_821 = tpu.memref_squeeze %dma_wait3A_820 : memref<1x128x64xf32, #tpu.memory_space<vmem>> -> memref<128x64xf32, #tpu.memory_space<vmem>>
      %dma_wait3A_822 = arith.constant 0 : i32
      %dma_wait3A_823 = tpu.memref_slice %arg5[%add3A_815, %dma_wait3A_822] : memref<224x128xi32, #tpu.memory_space<vmem>> -> memref<1x128xi32, #tpu.memory_space<vmem>>
      %dma_wait3A_824 = tpu.memref_squeeze %dma_wait3A_823 : memref<1x128xi32, #tpu.memory_space<vmem>> -> memref<128xi32, #tpu.memory_space<vmem>>
      %dma_wait3A_825 = arith.constant 0 : i32
      %dma_wait3A_826 = arith.constant 0 : i32
      %dma_wait3A_827 = tpu.memref_slice %arg3[%dma_wait3A_825, %dma_wait3A_826] : memref<1000000x64xf32, #tpu.memory_space<hbm>> -> memref<1000000x64xf32, #tpu.memory_space<hbm>>
      %dma_wait3A_828 = tpu.memref_slice %arg7[%dma_wait3A_817] : memref<8x!tpu.dma_semaphore, #tpu.memory_space<semaphore_mem>> -> memref<1x!tpu.dma_semaphore, #tpu.memory_space<semaphore_mem>>
      %dma_wait3A_829 = tpu.memref_squeeze %dma_wait3A_828 : memref<1x!tpu.dma_semaphore, #tpu.memory_space<semaphore_mem>> -> memref<!tpu.dma_semaphore, #tpu.memory_space<semaphore_mem>>
      tpu.wait_indirect_dma semaphore(%dma_wait3A_829 : memref<!tpu.dma_semaphore, #tpu.memory_space<semaphore_mem>>) src(%dma_wait3A_827 : memref<1000000x64xf32, #tpu.memory_space<hbm>>) dst(%dma_wait3A_821 : memref<128x64xf32, #tpu.memory_space<vmem>>)
      %add3A_830 = arith.constant 6 : i32
      %add3A_831 = arith.addi %add3A_585, %add3A_830 : i32
      %dma_start3A_832 = arith.constant 6 : i32
      %dma_start3A_833 = arith.constant 6 : i32
      %dma_start3A_834 = arith.constant 0 : i32
      %dma_start3A_835 = arith.constant 0 : i32
      %dma_start3A_836 = tpu.memref_slice %arg6[%dma_start3A_832, %dma_start3A_834, %dma_start3A_835] : memref<8x128x64xf32, #tpu.memory_space<vmem>> -> memref<1x128x64xf32, #tpu.memory_space<vmem>>
      %dma_start3A_837 = tpu.memref_squeeze %dma_start3A_836 : memref<1x128x64xf32, #tpu.memory_space<vmem>> -> memref<128x64xf32, #tpu.memory_space<vmem>>
      %dma_start3A_838 = arith.constant 0 : i32
      %dma_start3A_839 = arith.constant 0 : i32
      %dma_start3A_840 = tpu.memref_slice %arg4[%add3A, %add3A_831, %dma_start3A_838, %dma_start3A_839] : memref<32x224x128x128xf32, #tpu.memory_space<hbm>> -> memref<1x1x128x64xf32, #tpu.memory_space<hbm>>
      %dma_start3A_841 = tpu.memref_squeeze %dma_start3A_840 : memref<1x1x128x64xf32, #tpu.memory_space<hbm>> -> memref<128x64xf32, #tpu.memory_space<hbm>>
      %dma_start3A_842 = tpu.memref_slice %arg8[%dma_start3A_833] : memref<8x!tpu.dma_semaphore, #tpu.memory_space<semaphore_mem>> -> memref<1x!tpu.dma_semaphore, #tpu.memory_space<semaphore_mem>>
      %dma_start3A_843 = tpu.memref_squeeze %dma_start3A_842 : memref<1x!tpu.dma_semaphore, #tpu.memory_space<semaphore_mem>> -> memref<!tpu.dma_semaphore, #tpu.memory_space<semaphore_mem>>
      %dma_start3A_844 = arith.constant 0 : i32
      %dma_start3A_845 = arith.constant 0 : i32
      %dma_start3A_846 = tpu.memref_slice %arg4[%add3A, %add3A_831, %dma_start3A_844, %dma_start3A_845] : memref<32x224x128x128xf32, #tpu.memory_space<hbm>> -> memref<1x1x128x64xf32, #tpu.memory_space<hbm>>
      %dma_start3A_847 = tpu.memref_squeeze %dma_start3A_846 : memref<1x1x128x64xf32, #tpu.memory_space<hbm>> -> memref<128x64xf32, #tpu.memory_space<hbm>>
      %dma_start3A_848 = arith.constant 0 : i32
      %dma_start3A_849 = arith.constant 0 : i32
      %dma_start3A_850 = tpu.memref_slice %arg6[%dma_start3A_832, %dma_start3A_848, %dma_start3A_849] : memref<8x128x64xf32, #tpu.memory_space<vmem>> -> memref<1x128x64xf32, #tpu.memory_space<vmem>>
      %dma_start3A_851 = tpu.memref_squeeze %dma_start3A_850 : memref<1x128x64xf32, #tpu.memory_space<vmem>> -> memref<128x64xf32, #tpu.memory_space<vmem>>
      tpu.enqueue_dma source(%dma_start3A_851 : memref<128x64xf32, #tpu.memory_space<vmem>>) target(%dma_start3A_847 : memref<128x64xf32, #tpu.memory_space<hbm>>) target_semaphore(%dma_start3A_843 : memref<!tpu.dma_semaphore, #tpu.memory_space<semaphore_mem>>)
      %add3A_852 = arith.constant 7 : i32
      %add3A_853 = arith.addi %add3A_585, %add3A_852 : i32
      %dma_wait3A_854 = arith.constant 7 : i32
      %dma_wait3A_855 = arith.constant 7 : i32
      %dma_wait3A_856 = arith.constant 0 : i32
      %dma_wait3A_857 = arith.constant 0 : i32
      %dma_wait3A_858 = tpu.memref_slice %arg6[%dma_wait3A_854, %dma_wait3A_856, %dma_wait3A_857] : memref<8x128x64xf32, #tpu.memory_space<vmem>> -> memref<1x128x64xf32, #tpu.memory_space<vmem>>
      %dma_wait3A_859 = tpu.memref_squeeze %dma_wait3A_858 : memref<1x128x64xf32, #tpu.memory_space<vmem>> -> memref<128x64xf32, #tpu.memory_space<vmem>>
      %dma_wait3A_860 = arith.constant 0 : i32
      %dma_wait3A_861 = tpu.memref_slice %arg5[%add3A_853, %dma_wait3A_860] : memref<224x128xi32, #tpu.memory_space<vmem>> -> memref<1x128xi32, #tpu.memory_space<vmem>>
      %dma_wait3A_862 = tpu.memref_squeeze %dma_wait3A_861 : memref<1x128xi32, #tpu.memory_space<vmem>> -> memref<128xi32, #tpu.memory_space<vmem>>
      %dma_wait3A_863 = arith.constant 0 : i32
      %dma_wait3A_864 = arith.constant 0 : i32
      %dma_wait3A_865 = tpu.memref_slice %arg3[%dma_wait3A_863, %dma_wait3A_864] : memref<1000000x64xf32, #tpu.memory_space<hbm>> -> memref<1000000x64xf32, #tpu.memory_space<hbm>>
      %dma_wait3A_866 = tpu.memref_slice %arg7[%dma_wait3A_855] : memref<8x!tpu.dma_semaphore, #tpu.memory_space<semaphore_mem>> -> memref<1x!tpu.dma_semaphore, #tpu.memory_space<semaphore_mem>>
      %dma_wait3A_867 = tpu.memref_squeeze %dma_wait3A_866 : memref<1x!tpu.dma_semaphore, #tpu.memory_space<semaphore_mem>> -> memref<!tpu.dma_semaphore, #tpu.memory_space<semaphore_mem>>
      tpu.wait_indirect_dma semaphore(%dma_wait3A_867 : memref<!tpu.dma_semaphore, #tpu.memory_space<semaphore_mem>>) src(%dma_wait3A_865 : memref<1000000x64xf32, #tpu.memory_space<hbm>>) dst(%dma_wait3A_859 : memref<128x64xf32, #tpu.memory_space<vmem>>)
      %add3A_868 = arith.constant 7 : i32
      %add3A_869 = arith.addi %add3A_585, %add3A_868 : i32
      %dma_start3A_870 = arith.constant 7 : i32
      %dma_start3A_871 = arith.constant 7 : i32
      %dma_start3A_872 = arith.constant 0 : i32
      %dma_start3A_873 = arith.constant 0 : i32
      %dma_start3A_874 = tpu.memref_slice %arg6[%dma_start3A_870, %dma_start3A_872, %dma_start3A_873] : memref<8x128x64xf32, #tpu.memory_space<vmem>> -> memref<1x128x64xf32, #tpu.memory_space<vmem>>
      %dma_start3A_875 = tpu.memref_squeeze %dma_start3A_874 : memref<1x128x64xf32, #tpu.memory_space<vmem>> -> memref<128x64xf32, #tpu.memory_space<vmem>>
      %dma_start3A_876 = arith.constant 0 : i32
      %dma_start3A_877 = arith.constant 0 : i32
      %dma_start3A_878 = tpu.memref_slice %arg4[%add3A, %add3A_869, %dma_start3A_876, %dma_start3A_877] : memref<32x224x128x128xf32, #tpu.memory_space<hbm>> -> memref<1x1x128x64xf32, #tpu.memory_space<hbm>>
      %dma_start3A_879 = tpu.memref_squeeze %dma_start3A_878 : memref<1x1x128x64xf32, #tpu.memory_space<hbm>> -> memref<128x64xf32, #tpu.memory_space<hbm>>
      %dma_start3A_880 = tpu.memref_slice %arg8[%dma_start3A_871] : memref<8x!tpu.dma_semaphore, #tpu.memory_space<semaphore_mem>> -> memref<1x!tpu.dma_semaphore, #tpu.memory_space<semaphore_mem>>
      %dma_start3A_881 = tpu.memref_squeeze %dma_start3A_880 : memref<1x!tpu.dma_semaphore, #tpu.memory_space<semaphore_mem>> -> memref<!tpu.dma_semaphore, #tpu.memory_space<semaphore_mem>>
      %dma_start3A_882 = arith.constant 0 : i32
      %dma_start3A_883 = arith.constant 0 : i32
      %dma_start3A_884 = tpu.memref_slice %arg4[%add3A, %add3A_869, %dma_start3A_882, %dma_start3A_883] : memref<32x224x128x128xf32, #tpu.memory_space<hbm>> -> memref<1x1x128x64xf32, #tpu.memory_space<hbm>>
      %dma_start3A_885 = tpu.memref_squeeze %dma_start3A_884 : memref<1x1x128x64xf32, #tpu.memory_space<hbm>> -> memref<128x64xf32, #tpu.memory_space<hbm>>
      %dma_start3A_886 = arith.constant 0 : i32
      %dma_start3A_887 = arith.constant 0 : i32
      %dma_start3A_888 = tpu.memref_slice %arg6[%dma_start3A_870, %dma_start3A_886, %dma_start3A_887] : memref<8x128x64xf32, #tpu.memory_space<vmem>> -> memref<1x128x64xf32, #tpu.memory_space<vmem>>
      %dma_start3A_889 = tpu.memref_squeeze %dma_start3A_888 : memref<1x128x64xf32, #tpu.memory_space<vmem>> -> memref<128x64xf32, #tpu.memory_space<vmem>>
      tpu.enqueue_dma source(%dma_start3A_889 : memref<128x64xf32, #tpu.memory_space<vmem>>) target(%dma_start3A_885 : memref<128x64xf32, #tpu.memory_space<hbm>>) target_semaphore(%dma_start3A_881 : memref<!tpu.dma_semaphore, #tpu.memory_space<semaphore_mem>>)
      %add3A_890 = arith.constant 0 : i32
      %add3A_891 = arith.addi %add3A_585, %add3A_890 : i32
      %dma_wait3A_892 = arith.constant 0 : i32
      %dma_wait3A_893 = arith.constant 0 : i32
      %dma_wait3A_894 = arith.constant 0 : i32
      %dma_wait3A_895 = arith.constant 0 : i32
      %dma_wait3A_896 = tpu.memref_slice %arg6[%dma_wait3A_892, %dma_wait3A_894, %dma_wait3A_895] : memref<8x128x64xf32, #tpu.memory_space<vmem>> -> memref<1x128x64xf32, #tpu.memory_space<vmem>>
      %dma_wait3A_897 = tpu.memref_squeeze %dma_wait3A_896 : memref<1x128x64xf32, #tpu.memory_space<vmem>> -> memref<128x64xf32, #tpu.memory_space<vmem>>
      %dma_wait3A_898 = arith.constant 0 : i32
      %dma_wait3A_899 = arith.constant 0 : i32
      %dma_wait3A_900 = tpu.memref_slice %arg4[%add3A, %add3A_891, %dma_wait3A_898, %dma_wait3A_899] : memref<32x224x128x128xf32, #tpu.memory_space<hbm>> -> memref<1x1x128x64xf32, #tpu.memory_space<hbm>>
      %dma_wait3A_901 = tpu.memref_squeeze %dma_wait3A_900 : memref<1x1x128x64xf32, #tpu.memory_space<hbm>> -> memref<128x64xf32, #tpu.memory_space<hbm>>
      %dma_wait3A_902 = tpu.memref_slice %arg8[%dma_wait3A_893] : memref<8x!tpu.dma_semaphore, #tpu.memory_space<semaphore_mem>> -> memref<1x!tpu.dma_semaphore, #tpu.memory_space<semaphore_mem>>
      %dma_wait3A_903 = tpu.memref_squeeze %dma_wait3A_902 : memref<1x!tpu.dma_semaphore, #tpu.memory_space<semaphore_mem>> -> memref<!tpu.dma_semaphore, #tpu.memory_space<semaphore_mem>>
      %dma_wait3A_904 = arith.constant 0 : i32
      %dma_wait3A_905 = arith.constant 0 : i32
      %dma_wait3A_906 = tpu.memref_slice %arg4[%add3A, %add3A_891, %dma_wait3A_904, %dma_wait3A_905] : memref<32x224x128x128xf32, #tpu.memory_space<hbm>> -> memref<1x1x128x64xf32, #tpu.memory_space<hbm>>
      %dma_wait3A_907 = tpu.memref_squeeze %dma_wait3A_906 : memref<1x1x128x64xf32, #tpu.memory_space<hbm>> -> memref<128x64xf32, #tpu.memory_space<hbm>>
      %dma_wait3A_908 = arith.constant 0 : i32
      %dma_wait3A_909 = arith.constant 0 : i32
      %dma_wait3A_910 = tpu.memref_slice %arg6[%dma_wait3A_892, %dma_wait3A_908, %dma_wait3A_909] : memref<8x128x64xf32, #tpu.memory_space<vmem>> -> memref<1x128x64xf32, #tpu.memory_space<vmem>>
      %dma_wait3A_911 = tpu.memref_squeeze %dma_wait3A_910 : memref<1x128x64xf32, #tpu.memory_space<vmem>> -> memref<128x64xf32, #tpu.memory_space<vmem>>
      tpu.wait_dma2 semaphore(%dma_wait3A_903 : memref<!tpu.dma_semaphore, #tpu.memory_space<semaphore_mem>>) src(%dma_wait3A_911 : memref<128x64xf32, #tpu.memory_space<vmem>>) dst(%dma_wait3A_907 : memref<128x64xf32, #tpu.memory_space<hbm>>)
      %add3A_912 = arith.constant 8 : i32
      %add3A_913 = arith.addi %add3A_585, %add3A_912 : i32
      %add3A_914 = arith.constant 0 : i32
      %add3A_915 = arith.addi %add3A_913, %add3A_914 : i32
      %dma_start3A_916 = arith.constant 0 : i32
      %dma_start3A_917 = arith.constant 0 : i32
      %dma_start3A_918 = arith.constant 0 : i32
      %dma_start3A_919 = arith.constant 0 : i32
      %dma_start3A_920 = tpu.memref_slice %arg6[%dma_start3A_916, %dma_start3A_918, %dma_start3A_919] : memref<8x128x64xf32, #tpu.memory_space<vmem>> -> memref<1x128x64xf32, #tpu.memory_space<vmem>>
      %dma_start3A_921 = tpu.memref_squeeze %dma_start3A_920 : memref<1x128x64xf32, #tpu.memory_space<vmem>> -> memref<128x64xf32, #tpu.memory_space<vmem>>
      %dma_start3A_922 = arith.constant 0 : i32
      %dma_start3A_923 = tpu.memref_slice %arg5[%add3A_915, %dma_start3A_922] : memref<224x128xi32, #tpu.memory_space<vmem>> -> memref<1x128xi32, #tpu.memory_space<vmem>>
      %dma_start3A_924 = tpu.memref_squeeze %dma_start3A_923 : memref<1x128xi32, #tpu.memory_space<vmem>> -> memref<128xi32, #tpu.memory_space<vmem>>
      %dma_start3A_925 = arith.constant 0 : i32
      %dma_start3A_926 = arith.constant 0 : i32
      %dma_start3A_927 = tpu.memref_slice %arg3[%dma_start3A_925, %dma_start3A_926] : memref<1000000x64xf32, #tpu.memory_space<hbm>> -> memref<1000000x64xf32, #tpu.memory_space<hbm>>
      %dma_start3A_928 = tpu.memref_slice %arg7[%dma_start3A_917] : memref<8x!tpu.dma_semaphore, #tpu.memory_space<semaphore_mem>> -> memref<1x!tpu.dma_semaphore, #tpu.memory_space<semaphore_mem>>
      %dma_start3A_929 = tpu.memref_squeeze %dma_start3A_928 : memref<1x!tpu.dma_semaphore, #tpu.memory_space<semaphore_mem>> -> memref<!tpu.dma_semaphore, #tpu.memory_space<semaphore_mem>>
      tpu.enqueue_indirect_dma source(%dma_start3A_927 : memref<1000000x64xf32, #tpu.memory_space<hbm>>) target(%dma_start3A_921 : memref<128x64xf32, #tpu.memory_space<vmem>>) offsets(%dma_start3A_924 : memref<128xi32, #tpu.memory_space<vmem>>) semaphore(%dma_start3A_929 : memref<!tpu.dma_semaphore, #tpu.memory_space<semaphore_mem>>)
      %add3A_930 = arith.constant 1 : i32
      %add3A_931 = arith.addi %add3A_585, %add3A_930 : i32
      %dma_wait3A_932 = arith.constant 1 : i32
      %dma_wait3A_933 = arith.constant 1 : i32
      %dma_wait3A_934 = arith.constant 0 : i32
      %dma_wait3A_935 = arith.constant 0 : i32
      %dma_wait3A_936 = tpu.memref_slice %arg6[%dma_wait3A_932, %dma_wait3A_934, %dma_wait3A_935] : memref<8x128x64xf32, #tpu.memory_space<vmem>> -> memref<1x128x64xf32, #tpu.memory_space<vmem>>
      %dma_wait3A_937 = tpu.memref_squeeze %dma_wait3A_936 : memref<1x128x64xf32, #tpu.memory_space<vmem>> -> memref<128x64xf32, #tpu.memory_space<vmem>>
      %dma_wait3A_938 = arith.constant 0 : i32
      %dma_wait3A_939 = arith.constant 0 : i32
      %dma_wait3A_940 = tpu.memref_slice %arg4[%add3A, %add3A_931, %dma_wait3A_938, %dma_wait3A_939] : memref<32x224x128x128xf32, #tpu.memory_space<hbm>> -> memref<1x1x128x64xf32, #tpu.memory_space<hbm>>
      %dma_wait3A_941 = tpu.memref_squeeze %dma_wait3A_940 : memref<1x1x128x64xf32, #tpu.memory_space<hbm>> -> memref<128x64xf32, #tpu.memory_space<hbm>>
      %dma_wait3A_942 = tpu.memref_slice %arg8[%dma_wait3A_933] : memref<8x!tpu.dma_semaphore, #tpu.memory_space<semaphore_mem>> -> memref<1x!tpu.dma_semaphore, #tpu.memory_space<semaphore_mem>>
      %dma_wait3A_943 = tpu.memref_squeeze %dma_wait3A_942 : memref<1x!tpu.dma_semaphore, #tpu.memory_space<semaphore_mem>> -> memref<!tpu.dma_semaphore, #tpu.memory_space<semaphore_mem>>
      %dma_wait3A_944 = arith.constant 0 : i32
      %dma_wait3A_945 = arith.constant 0 : i32
      %dma_wait3A_946 = tpu.memref_slice %arg4[%add3A, %add3A_931, %dma_wait3A_944, %dma_wait3A_945] : memref<32x224x128x128xf32, #tpu.memory_space<hbm>> -> memref<1x1x128x64xf32, #tpu.memory_space<hbm>>
      %dma_wait3A_947 = tpu.memref_squeeze %dma_wait3A_946 : memref<1x1x128x64xf32, #tpu.memory_space<hbm>> -> memref<128x64xf32, #tpu.memory_space<hbm>>
      %dma_wait3A_948 = arith.constant 0 : i32
      %dma_wait3A_949 = arith.constant 0 : i32
      %dma_wait3A_950 = tpu.memref_slice %arg6[%dma_wait3A_932, %dma_wait3A_948, %dma_wait3A_949] : memref<8x128x64xf32, #tpu.memory_space<vmem>> -> memref<1x128x64xf32, #tpu.memory_space<vmem>>
      %dma_wait3A_951 = tpu.memref_squeeze %dma_wait3A_950 : memref<1x128x64xf32, #tpu.memory_space<vmem>> -> memref<128x64xf32, #tpu.memory_space<vmem>>
      tpu.wait_dma2 semaphore(%dma_wait3A_943 : memref<!tpu.dma_semaphore, #tpu.memory_space<semaphore_mem>>) src(%dma_wait3A_951 : memref<128x64xf32, #tpu.memory_space<vmem>>) dst(%dma_wait3A_947 : memref<128x64xf32, #tpu.memory_space<hbm>>)
      %add3A_952 = arith.constant 8 : i32
      %add3A_953 = arith.addi %add3A_585, %add3A_952 : i32
      %add3A_954 = arith.constant 1 : i32
      %add3A_955 = arith.addi %add3A_953, %add3A_954 : i32
      %dma_start3A_956 = arith.constant 1 : i32
      %dma_start3A_957 = arith.constant 1 : i32
      %dma_start3A_958 = arith.constant 0 : i32
      %dma_start3A_959 = arith.constant 0 : i32
      %dma_start3A_960 = tpu.memref_slice %arg6[%dma_start3A_956, %dma_start3A_958, %dma_start3A_959] : memref<8x128x64xf32, #tpu.memory_space<vmem>> -> memref<1x128x64xf32, #tpu.memory_space<vmem>>
      %dma_start3A_961 = tpu.memref_squeeze %dma_start3A_960 : memref<1x128x64xf32, #tpu.memory_space<vmem>> -> memref<128x64xf32, #tpu.memory_space<vmem>>
      %dma_start3A_962 = arith.constant 0 : i32
      %dma_start3A_963 = tpu.memref_slice %arg5[%add3A_955, %dma_start3A_962] : memref<224x128xi32, #tpu.memory_space<vmem>> -> memref<1x128xi32, #tpu.memory_space<vmem>>
      %dma_start3A_964 = tpu.memref_squeeze %dma_start3A_963 : memref<1x128xi32, #tpu.memory_space<vmem>> -> memref<128xi32, #tpu.memory_space<vmem>>
      %dma_start3A_965 = arith.constant 0 : i32
      %dma_start3A_966 = arith.constant 0 : i32
      %dma_start3A_967 = tpu.memref_slice %arg3[%dma_start3A_965, %dma_start3A_966] : memref<1000000x64xf32, #tpu.memory_space<hbm>> -> memref<1000000x64xf32, #tpu.memory_space<hbm>>
      %dma_start3A_968 = tpu.memref_slice %arg7[%dma_start3A_957] : memref<8x!tpu.dma_semaphore, #tpu.memory_space<semaphore_mem>> -> memref<1x!tpu.dma_semaphore, #tpu.memory_space<semaphore_mem>>
      %dma_start3A_969 = tpu.memref_squeeze %dma_start3A_968 : memref<1x!tpu.dma_semaphore, #tpu.memory_space<semaphore_mem>> -> memref<!tpu.dma_semaphore, #tpu.memory_space<semaphore_mem>>
      tpu.enqueue_indirect_dma source(%dma_start3A_967 : memref<1000000x64xf32, #tpu.memory_space<hbm>>) target(%dma_start3A_961 : memref<128x64xf32, #tpu.memory_space<vmem>>) offsets(%dma_start3A_964 : memref<128xi32, #tpu.memory_space<vmem>>) semaphore(%dma_start3A_969 : memref<!tpu.dma_semaphore, #tpu.memory_space<semaphore_mem>>)
      %add3A_970 = arith.constant 2 : i32
      %add3A_971 = arith.addi %add3A_585, %add3A_970 : i32
      %dma_wait3A_972 = arith.constant 2 : i32
      %dma_wait3A_973 = arith.constant 2 : i32
      %dma_wait3A_974 = arith.constant 0 : i32
      %dma_wait3A_975 = arith.constant 0 : i32
      %dma_wait3A_976 = tpu.memref_slice %arg6[%dma_wait3A_972, %dma_wait3A_974, %dma_wait3A_975] : memref<8x128x64xf32, #tpu.memory_space<vmem>> -> memref<1x128x64xf32, #tpu.memory_space<vmem>>
      %dma_wait3A_977 = tpu.memref_squeeze %dma_wait3A_976 : memref<1x128x64xf32, #tpu.memory_space<vmem>> -> memref<128x64xf32, #tpu.memory_space<vmem>>
      %dma_wait3A_978 = arith.constant 0 : i32
      %dma_wait3A_979 = arith.constant 0 : i32
      %dma_wait3A_980 = tpu.memref_slice %arg4[%add3A, %add3A_971, %dma_wait3A_978, %dma_wait3A_979] : memref<32x224x128x128xf32, #tpu.memory_space<hbm>> -> memref<1x1x128x64xf32, #tpu.memory_space<hbm>>
      %dma_wait3A_981 = tpu.memref_squeeze %dma_wait3A_980 : memref<1x1x128x64xf32, #tpu.memory_space<hbm>> -> memref<128x64xf32, #tpu.memory_space<hbm>>
      %dma_wait3A_982 = tpu.memref_slice %arg8[%dma_wait3A_973] : memref<8x!tpu.dma_semaphore, #tpu.memory_space<semaphore_mem>> -> memref<1x!tpu.dma_semaphore, #tpu.memory_space<semaphore_mem>>
      %dma_wait3A_983 = tpu.memref_squeeze %dma_wait3A_982 : memref<1x!tpu.dma_semaphore, #tpu.memory_space<semaphore_mem>> -> memref<!tpu.dma_semaphore, #tpu.memory_space<semaphore_mem>>
      %dma_wait3A_984 = arith.constant 0 : i32
      %dma_wait3A_985 = arith.constant 0 : i32
      %dma_wait3A_986 = tpu.memref_slice %arg4[%add3A, %add3A_971, %dma_wait3A_984, %dma_wait3A_985] : memref<32x224x128x128xf32, #tpu.memory_space<hbm>> -> memref<1x1x128x64xf32, #tpu.memory_space<hbm>>
      %dma_wait3A_987 = tpu.memref_squeeze %dma_wait3A_986 : memref<1x1x128x64xf32, #tpu.memory_space<hbm>> -> memref<128x64xf32, #tpu.memory_space<hbm>>
      %dma_wait3A_988 = arith.constant 0 : i32
      %dma_wait3A_989 = arith.constant 0 : i32
      %dma_wait3A_990 = tpu.memref_slice %arg6[%dma_wait3A_972, %dma_wait3A_988, %dma_wait3A_989] : memref<8x128x64xf32, #tpu.memory_space<vmem>> -> memref<1x128x64xf32, #tpu.memory_space<vmem>>
      %dma_wait3A_991 = tpu.memref_squeeze %dma_wait3A_990 : memref<1x128x64xf32, #tpu.memory_space<vmem>> -> memref<128x64xf32, #tpu.memory_space<vmem>>
      tpu.wait_dma2 semaphore(%dma_wait3A_983 : memref<!tpu.dma_semaphore, #tpu.memory_space<semaphore_mem>>) src(%dma_wait3A_991 : memref<128x64xf32, #tpu.memory_space<vmem>>) dst(%dma_wait3A_987 : memref<128x64xf32, #tpu.memory_space<hbm>>)
      %add3A_992 = arith.constant 8 : i32
      %add3A_993 = arith.addi %add3A_585, %add3A_992 : i32
      %add3A_994 = arith.constant 2 : i32
      %add3A_995 = arith.addi %add3A_993, %add3A_994 : i32
      %dma_start3A_996 = arith.constant 2 : i32
      %dma_start3A_997 = arith.constant 2 : i32
      %dma_start3A_998 = arith.constant 0 : i32
      %dma_start3A_999 = arith.constant 0 : i32
      %dma_start3A_1000 = tpu.memref_slice %arg6[%dma_start3A_996, %dma_start3A_998, %dma_start3A_999] : memref<8x128x64xf32, #tpu.memory_space<vmem>> -> memref<1x128x64xf32, #tpu.memory_space<vmem>>
      %dma_start3A_1001 = tpu.memref_squeeze %dma_start3A_1000 : memref<1x128x64xf32, #tpu.memory_space<vmem>> -> memref<128x64xf32, #tpu.memory_space<vmem>>
      %dma_start3A_1002 = arith.constant 0 : i32
      %dma_start3A_1003 = tpu.memref_slice %arg5[%add3A_995, %dma_start3A_1002] : memref<224x128xi32, #tpu.memory_space<vmem>> -> memref<1x128xi32, #tpu.memory_space<vmem>>
      %dma_start3A_1004 = tpu.memref_squeeze %dma_start3A_1003 : memref<1x128xi32, #tpu.memory_space<vmem>> -> memref<128xi32, #tpu.memory_space<vmem>>
      %dma_start3A_1005 = arith.constant 0 : i32
      %dma_start3A_1006 = arith.constant 0 : i32
      %dma_start3A_1007 = tpu.memref_slice %arg3[%dma_start3A_1005, %dma_start3A_1006] : memref<1000000x64xf32, #tpu.memory_space<hbm>> -> memref<1000000x64xf32, #tpu.memory_space<hbm>>
      %dma_start3A_1008 = tpu.memref_slice %arg7[%dma_start3A_997] : memref<8x!tpu.dma_semaphore, #tpu.memory_space<semaphore_mem>> -> memref<1x!tpu.dma_semaphore, #tpu.memory_space<semaphore_mem>>
      %dma_start3A_1009 = tpu.memref_squeeze %dma_start3A_1008 : memref<1x!tpu.dma_semaphore, #tpu.memory_space<semaphore_mem>> -> memref<!tpu.dma_semaphore, #tpu.memory_space<semaphore_mem>>
      tpu.enqueue_indirect_dma source(%dma_start3A_1007 : memref<1000000x64xf32, #tpu.memory_space<hbm>>) target(%dma_start3A_1001 : memref<128x64xf32, #tpu.memory_space<vmem>>) offsets(%dma_start3A_1004 : memref<128xi32, #tpu.memory_space<vmem>>) semaphore(%dma_start3A_1009 : memref<!tpu.dma_semaphore, #tpu.memory_space<semaphore_mem>>)
      %add3A_1010 = arith.constant 3 : i32
      %add3A_1011 = arith.addi %add3A_585, %add3A_1010 : i32
      %dma_wait3A_1012 = arith.constant 3 : i32
      %dma_wait3A_1013 = arith.constant 3 : i32
      %dma_wait3A_1014 = arith.constant 0 : i32
      %dma_wait3A_1015 = arith.constant 0 : i32
      %dma_wait3A_1016 = tpu.memref_slice %arg6[%dma_wait3A_1012, %dma_wait3A_1014, %dma_wait3A_1015] : memref<8x128x64xf32, #tpu.memory_space<vmem>> -> memref<1x128x64xf32, #tpu.memory_space<vmem>>
      %dma_wait3A_1017 = tpu.memref_squeeze %dma_wait3A_1016 : memref<1x128x64xf32, #tpu.memory_space<vmem>> -> memref<128x64xf32, #tpu.memory_space<vmem>>
      %dma_wait3A_1018 = arith.constant 0 : i32
      %dma_wait3A_1019 = arith.constant 0 : i32
      %dma_wait3A_1020 = tpu.memref_slice %arg4[%add3A, %add3A_1011, %dma_wait3A_1018, %dma_wait3A_1019] : memref<32x224x128x128xf32, #tpu.memory_space<hbm>> -> memref<1x1x128x64xf32, #tpu.memory_space<hbm>>
      %dma_wait3A_1021 = tpu.memref_squeeze %dma_wait3A_1020 : memref<1x1x128x64xf32, #tpu.memory_space<hbm>> -> memref<128x64xf32, #tpu.memory_space<hbm>>
      %dma_wait3A_1022 = tpu.memref_slice %arg8[%dma_wait3A_1013] : memref<8x!tpu.dma_semaphore, #tpu.memory_space<semaphore_mem>> -> memref<1x!tpu.dma_semaphore, #tpu.memory_space<semaphore_mem>>
      %dma_wait3A_1023 = tpu.memref_squeeze %dma_wait3A_1022 : memref<1x!tpu.dma_semaphore, #tpu.memory_space<semaphore_mem>> -> memref<!tpu.dma_semaphore, #tpu.memory_space<semaphore_mem>>
      %dma_wait3A_1024 = arith.constant 0 : i32
      %dma_wait3A_1025 = arith.constant 0 : i32
      %dma_wait3A_1026 = tpu.memref_slice %arg4[%add3A, %add3A_1011, %dma_wait3A_1024, %dma_wait3A_1025] : memref<32x224x128x128xf32, #tpu.memory_space<hbm>> -> memref<1x1x128x64xf32, #tpu.memory_space<hbm>>
      %dma_wait3A_1027 = tpu.memref_squeeze %dma_wait3A_1026 : memref<1x1x128x64xf32, #tpu.memory_space<hbm>> -> memref<128x64xf32, #tpu.memory_space<hbm>>
      %dma_wait3A_1028 = arith.constant 0 : i32
      %dma_wait3A_1029 = arith.constant 0 : i32
      %dma_wait3A_1030 = tpu.memref_slice %arg6[%dma_wait3A_1012, %dma_wait3A_1028, %dma_wait3A_1029] : memref<8x128x64xf32, #tpu.memory_space<vmem>> -> memref<1x128x64xf32, #tpu.memory_space<vmem>>
      %dma_wait3A_1031 = tpu.memref_squeeze %dma_wait3A_1030 : memref<1x128x64xf32, #tpu.memory_space<vmem>> -> memref<128x64xf32, #tpu.memory_space<vmem>>
      tpu.wait_dma2 semaphore(%dma_wait3A_1023 : memref<!tpu.dma_semaphore, #tpu.memory_space<semaphore_mem>>) src(%dma_wait3A_1031 : memref<128x64xf32, #tpu.memory_space<vmem>>) dst(%dma_wait3A_1027 : memref<128x64xf32, #tpu.memory_space<hbm>>)
      %add3A_1032 = arith.constant 8 : i32
      %add3A_1033 = arith.addi %add3A_585, %add3A_1032 : i32
      %add3A_1034 = arith.constant 3 : i32
      %add3A_1035 = arith.addi %add3A_1033, %add3A_1034 : i32
      %dma_start3A_1036 = arith.constant 3 : i32
      %dma_start3A_1037 = arith.constant 3 : i32
      %dma_start3A_1038 = arith.constant 0 : i32
      %dma_start3A_1039 = arith.constant 0 : i32
      %dma_start3A_1040 = tpu.memref_slice %arg6[%dma_start3A_1036, %dma_start3A_1038, %dma_start3A_1039] : memref<8x128x64xf32, #tpu.memory_space<vmem>> -> memref<1x128x64xf32, #tpu.memory_space<vmem>>
      %dma_start3A_1041 = tpu.memref_squeeze %dma_start3A_1040 : memref<1x128x64xf32, #tpu.memory_space<vmem>> -> memref<128x64xf32, #tpu.memory_space<vmem>>
      %dma_start3A_1042 = arith.constant 0 : i32
      %dma_start3A_1043 = tpu.memref_slice %arg5[%add3A_1035, %dma_start3A_1042] : memref<224x128xi32, #tpu.memory_space<vmem>> -> memref<1x128xi32, #tpu.memory_space<vmem>>
      %dma_start3A_1044 = tpu.memref_squeeze %dma_start3A_1043 : memref<1x128xi32, #tpu.memory_space<vmem>> -> memref<128xi32, #tpu.memory_space<vmem>>
      %dma_start3A_1045 = arith.constant 0 : i32
      %dma_start3A_1046 = arith.constant 0 : i32
      %dma_start3A_1047 = tpu.memref_slice %arg3[%dma_start3A_1045, %dma_start3A_1046] : memref<1000000x64xf32, #tpu.memory_space<hbm>> -> memref<1000000x64xf32, #tpu.memory_space<hbm>>
      %dma_start3A_1048 = tpu.memref_slice %arg7[%dma_start3A_1037] : memref<8x!tpu.dma_semaphore, #tpu.memory_space<semaphore_mem>> -> memref<1x!tpu.dma_semaphore, #tpu.memory_space<semaphore_mem>>
      %dma_start3A_1049 = tpu.memref_squeeze %dma_start3A_1048 : memref<1x!tpu.dma_semaphore, #tpu.memory_space<semaphore_mem>> -> memref<!tpu.dma_semaphore, #tpu.memory_space<semaphore_mem>>
      tpu.enqueue_indirect_dma source(%dma_start3A_1047 : memref<1000000x64xf32, #tpu.memory_space<hbm>>) target(%dma_start3A_1041 : memref<128x64xf32, #tpu.memory_space<vmem>>) offsets(%dma_start3A_1044 : memref<128xi32, #tpu.memory_space<vmem>>) semaphore(%dma_start3A_1049 : memref<!tpu.dma_semaphore, #tpu.memory_space<semaphore_mem>>)
      %add3A_1050 = arith.constant 4 : i32
      %add3A_1051 = arith.addi %add3A_585, %add3A_1050 : i32
      %dma_wait3A_1052 = arith.constant 4 : i32
      %dma_wait3A_1053 = arith.constant 4 : i32
      %dma_wait3A_1054 = arith.constant 0 : i32
      %dma_wait3A_1055 = arith.constant 0 : i32
      %dma_wait3A_1056 = tpu.memref_slice %arg6[%dma_wait3A_1052, %dma_wait3A_1054, %dma_wait3A_1055] : memref<8x128x64xf32, #tpu.memory_space<vmem>> -> memref<1x128x64xf32, #tpu.memory_space<vmem>>
      %dma_wait3A_1057 = tpu.memref_squeeze %dma_wait3A_1056 : memref<1x128x64xf32, #tpu.memory_space<vmem>> -> memref<128x64xf32, #tpu.memory_space<vmem>>
      %dma_wait3A_1058 = arith.constant 0 : i32
      %dma_wait3A_1059 = arith.constant 0 : i32
      %dma_wait3A_1060 = tpu.memref_slice %arg4[%add3A, %add3A_1051, %dma_wait3A_1058, %dma_wait3A_1059] : memref<32x224x128x128xf32, #tpu.memory_space<hbm>> -> memref<1x1x128x64xf32, #tpu.memory_space<hbm>>
      %dma_wait3A_1061 = tpu.memref_squeeze %dma_wait3A_1060 : memref<1x1x128x64xf32, #tpu.memory_space<hbm>> -> memref<128x64xf32, #tpu.memory_space<hbm>>
      %dma_wait3A_1062 = tpu.memref_slice %arg8[%dma_wait3A_1053] : memref<8x!tpu.dma_semaphore, #tpu.memory_space<semaphore_mem>> -> memref<1x!tpu.dma_semaphore, #tpu.memory_space<semaphore_mem>>
      %dma_wait3A_1063 = tpu.memref_squeeze %dma_wait3A_1062 : memref<1x!tpu.dma_semaphore, #tpu.memory_space<semaphore_mem>> -> memref<!tpu.dma_semaphore, #tpu.memory_space<semaphore_mem>>
      %dma_wait3A_1064 = arith.constant 0 : i32
      %dma_wait3A_1065 = arith.constant 0 : i32
      %dma_wait3A_1066 = tpu.memref_slice %arg4[%add3A, %add3A_1051, %dma_wait3A_1064, %dma_wait3A_1065] : memref<32x224x128x128xf32, #tpu.memory_space<hbm>> -> memref<1x1x128x64xf32, #tpu.memory_space<hbm>>
      %dma_wait3A_1067 = tpu.memref_squeeze %dma_wait3A_1066 : memref<1x1x128x64xf32, #tpu.memory_space<hbm>> -> memref<128x64xf32, #tpu.memory_space<hbm>>
      %dma_wait3A_1068 = arith.constant 0 : i32
      %dma_wait3A_1069 = arith.constant 0 : i32
      %dma_wait3A_1070 = tpu.memref_slice %arg6[%dma_wait3A_1052, %dma_wait3A_1068, %dma_wait3A_1069] : memref<8x128x64xf32, #tpu.memory_space<vmem>> -> memref<1x128x64xf32, #tpu.memory_space<vmem>>
      %dma_wait3A_1071 = tpu.memref_squeeze %dma_wait3A_1070 : memref<1x128x64xf32, #tpu.memory_space<vmem>> -> memref<128x64xf32, #tpu.memory_space<vmem>>
      tpu.wait_dma2 semaphore(%dma_wait3A_1063 : memref<!tpu.dma_semaphore, #tpu.memory_space<semaphore_mem>>) src(%dma_wait3A_1071 : memref<128x64xf32, #tpu.memory_space<vmem>>) dst(%dma_wait3A_1067 : memref<128x64xf32, #tpu.memory_space<hbm>>)
      %add3A_1072 = arith.constant 8 : i32
      %add3A_1073 = arith.addi %add3A_585, %add3A_1072 : i32
      %add3A_1074 = arith.constant 4 : i32
      %add3A_1075 = arith.addi %add3A_1073, %add3A_1074 : i32
      %dma_start3A_1076 = arith.constant 4 : i32
      %dma_start3A_1077 = arith.constant 4 : i32
      %dma_start3A_1078 = arith.constant 0 : i32
      %dma_start3A_1079 = arith.constant 0 : i32
      %dma_start3A_1080 = tpu.memref_slice %arg6[%dma_start3A_1076, %dma_start3A_1078, %dma_start3A_1079] : memref<8x128x64xf32, #tpu.memory_space<vmem>> -> memref<1x128x64xf32, #tpu.memory_space<vmem>>
      %dma_start3A_1081 = tpu.memref_squeeze %dma_start3A_1080 : memref<1x128x64xf32, #tpu.memory_space<vmem>> -> memref<128x64xf32, #tpu.memory_space<vmem>>
      %dma_start3A_1082 = arith.constant 0 : i32
      %dma_start3A_1083 = tpu.memref_slice %arg5[%add3A_1075, %dma_start3A_1082] : memref<224x128xi32, #tpu.memory_space<vmem>> -> memref<1x128xi32, #tpu.memory_space<vmem>>
      %dma_start3A_1084 = tpu.memref_squeeze %dma_start3A_1083 : memref<1x128xi32, #tpu.memory_space<vmem>> -> memref<128xi32, #tpu.memory_space<vmem>>
      %dma_start3A_1085 = arith.constant 0 : i32
      %dma_start3A_1086 = arith.constant 0 : i32
      %dma_start3A_1087 = tpu.memref_slice %arg3[%dma_start3A_1085, %dma_start3A_1086] : memref<1000000x64xf32, #tpu.memory_space<hbm>> -> memref<1000000x64xf32, #tpu.memory_space<hbm>>
      %dma_start3A_1088 = tpu.memref_slice %arg7[%dma_start3A_1077] : memref<8x!tpu.dma_semaphore, #tpu.memory_space<semaphore_mem>> -> memref<1x!tpu.dma_semaphore, #tpu.memory_space<semaphore_mem>>
      %dma_start3A_1089 = tpu.memref_squeeze %dma_start3A_1088 : memref<1x!tpu.dma_semaphore, #tpu.memory_space<semaphore_mem>> -> memref<!tpu.dma_semaphore, #tpu.memory_space<semaphore_mem>>
      tpu.enqueue_indirect_dma source(%dma_start3A_1087 : memref<1000000x64xf32, #tpu.memory_space<hbm>>) target(%dma_start3A_1081 : memref<128x64xf32, #tpu.memory_space<vmem>>) offsets(%dma_start3A_1084 : memref<128xi32, #tpu.memory_space<vmem>>) semaphore(%dma_start3A_1089 : memref<!tpu.dma_semaphore, #tpu.memory_space<semaphore_mem>>)
      %add3A_1090 = arith.constant 5 : i32
      %add3A_1091 = arith.addi %add3A_585, %add3A_1090 : i32
      %dma_wait3A_1092 = arith.constant 5 : i32
      %dma_wait3A_1093 = arith.constant 5 : i32
      %dma_wait3A_1094 = arith.constant 0 : i32
      %dma_wait3A_1095 = arith.constant 0 : i32
      %dma_wait3A_1096 = tpu.memref_slice %arg6[%dma_wait3A_1092, %dma_wait3A_1094, %dma_wait3A_1095] : memref<8x128x64xf32, #tpu.memory_space<vmem>> -> memref<1x128x64xf32, #tpu.memory_space<vmem>>
      %dma_wait3A_1097 = tpu.memref_squeeze %dma_wait3A_1096 : memref<1x128x64xf32, #tpu.memory_space<vmem>> -> memref<128x64xf32, #tpu.memory_space<vmem>>
      %dma_wait3A_1098 = arith.constant 0 : i32
      %dma_wait3A_1099 = arith.constant 0 : i32
      %dma_wait3A_1100 = tpu.memref_slice %arg4[%add3A, %add3A_1091, %dma_wait3A_1098, %dma_wait3A_1099] : memref<32x224x128x128xf32, #tpu.memory_space<hbm>> -> memref<1x1x128x64xf32, #tpu.memory_space<hbm>>
      %dma_wait3A_1101 = tpu.memref_squeeze %dma_wait3A_1100 : memref<1x1x128x64xf32, #tpu.memory_space<hbm>> -> memref<128x64xf32, #tpu.memory_space<hbm>>
      %dma_wait3A_1102 = tpu.memref_slice %arg8[%dma_wait3A_1093] : memref<8x!tpu.dma_semaphore, #tpu.memory_space<semaphore_mem>> -> memref<1x!tpu.dma_semaphore, #tpu.memory_space<semaphore_mem>>
      %dma_wait3A_1103 = tpu.memref_squeeze %dma_wait3A_1102 : memref<1x!tpu.dma_semaphore, #tpu.memory_space<semaphore_mem>> -> memref<!tpu.dma_semaphore, #tpu.memory_space<semaphore_mem>>
      %dma_wait3A_1104 = arith.constant 0 : i32
      %dma_wait3A_1105 = arith.constant 0 : i32
      %dma_wait3A_1106 = tpu.memref_slice %arg4[%add3A, %add3A_1091, %dma_wait3A_1104, %dma_wait3A_1105] : memref<32x224x128x128xf32, #tpu.memory_space<hbm>> -> memref<1x1x128x64xf32, #tpu.memory_space<hbm>>
      %dma_wait3A_1107 = tpu.memref_squeeze %dma_wait3A_1106 : memref<1x1x128x64xf32, #tpu.memory_space<hbm>> -> memref<128x64xf32, #tpu.memory_space<hbm>>
      %dma_wait3A_1108 = arith.constant 0 : i32
      %dma_wait3A_1109 = arith.constant 0 : i32
      %dma_wait3A_1110 = tpu.memref_slice %arg6[%dma_wait3A_1092, %dma_wait3A_1108, %dma_wait3A_1109] : memref<8x128x64xf32, #tpu.memory_space<vmem>> -> memref<1x128x64xf32, #tpu.memory_space<vmem>>
      %dma_wait3A_1111 = tpu.memref_squeeze %dma_wait3A_1110 : memref<1x128x64xf32, #tpu.memory_space<vmem>> -> memref<128x64xf32, #tpu.memory_space<vmem>>
      tpu.wait_dma2 semaphore(%dma_wait3A_1103 : memref<!tpu.dma_semaphore, #tpu.memory_space<semaphore_mem>>) src(%dma_wait3A_1111 : memref<128x64xf32, #tpu.memory_space<vmem>>) dst(%dma_wait3A_1107 : memref<128x64xf32, #tpu.memory_space<hbm>>)
      %add3A_1112 = arith.constant 8 : i32
      %add3A_1113 = arith.addi %add3A_585, %add3A_1112 : i32
      %add3A_1114 = arith.constant 5 : i32
      %add3A_1115 = arith.addi %add3A_1113, %add3A_1114 : i32
      %dma_start3A_1116 = arith.constant 5 : i32
      %dma_start3A_1117 = arith.constant 5 : i32
      %dma_start3A_1118 = arith.constant 0 : i32
      %dma_start3A_1119 = arith.constant 0 : i32
      %dma_start3A_1120 = tpu.memref_slice %arg6[%dma_start3A_1116, %dma_start3A_1118, %dma_start3A_1119] : memref<8x128x64xf32, #tpu.memory_space<vmem>> -> memref<1x128x64xf32, #tpu.memory_space<vmem>>
      %dma_start3A_1121 = tpu.memref_squeeze %dma_start3A_1120 : memref<1x128x64xf32, #tpu.memory_space<vmem>> -> memref<128x64xf32, #tpu.memory_space<vmem>>
      %dma_start3A_1122 = arith.constant 0 : i32
      %dma_start3A_1123 = tpu.memref_slice %arg5[%add3A_1115, %dma_start3A_1122] : memref<224x128xi32, #tpu.memory_space<vmem>> -> memref<1x128xi32, #tpu.memory_space<vmem>>
      %dma_start3A_1124 = tpu.memref_squeeze %dma_start3A_1123 : memref<1x128xi32, #tpu.memory_space<vmem>> -> memref<128xi32, #tpu.memory_space<vmem>>
      %dma_start3A_1125 = arith.constant 0 : i32
      %dma_start3A_1126 = arith.constant 0 : i32
      %dma_start3A_1127 = tpu.memref_slice %arg3[%dma_start3A_1125, %dma_start3A_1126] : memref<1000000x64xf32, #tpu.memory_space<hbm>> -> memref<1000000x64xf32, #tpu.memory_space<hbm>>
      %dma_start3A_1128 = tpu.memref_slice %arg7[%dma_start3A_1117] : memref<8x!tpu.dma_semaphore, #tpu.memory_space<semaphore_mem>> -> memref<1x!tpu.dma_semaphore, #tpu.memory_space<semaphore_mem>>
      %dma_start3A_1129 = tpu.memref_squeeze %dma_start3A_1128 : memref<1x!tpu.dma_semaphore, #tpu.memory_space<semaphore_mem>> -> memref<!tpu.dma_semaphore, #tpu.memory_space<semaphore_mem>>
      tpu.enqueue_indirect_dma source(%dma_start3A_1127 : memref<1000000x64xf32, #tpu.memory_space<hbm>>) target(%dma_start3A_1121 : memref<128x64xf32, #tpu.memory_space<vmem>>) offsets(%dma_start3A_1124 : memref<128xi32, #tpu.memory_space<vmem>>) semaphore(%dma_start3A_1129 : memref<!tpu.dma_semaphore, #tpu.memory_space<semaphore_mem>>)
      %add3A_1130 = arith.constant 6 : i32
      %add3A_1131 = arith.addi %add3A_585, %add3A_1130 : i32
      %dma_wait3A_1132 = arith.constant 6 : i32
      %dma_wait3A_1133 = arith.constant 6 : i32
      %dma_wait3A_1134 = arith.constant 0 : i32
      %dma_wait3A_1135 = arith.constant 0 : i32
      %dma_wait3A_1136 = tpu.memref_slice %arg6[%dma_wait3A_1132, %dma_wait3A_1134, %dma_wait3A_1135] : memref<8x128x64xf32, #tpu.memory_space<vmem>> -> memref<1x128x64xf32, #tpu.memory_space<vmem>>
      %dma_wait3A_1137 = tpu.memref_squeeze %dma_wait3A_1136 : memref<1x128x64xf32, #tpu.memory_space<vmem>> -> memref<128x64xf32, #tpu.memory_space<vmem>>
      %dma_wait3A_1138 = arith.constant 0 : i32
      %dma_wait3A_1139 = arith.constant 0 : i32
      %dma_wait3A_1140 = tpu.memref_slice %arg4[%add3A, %add3A_1131, %dma_wait3A_1138, %dma_wait3A_1139] : memref<32x224x128x128xf32, #tpu.memory_space<hbm>> -> memref<1x1x128x64xf32, #tpu.memory_space<hbm>>
      %dma_wait3A_1141 = tpu.memref_squeeze %dma_wait3A_1140 : memref<1x1x128x64xf32, #tpu.memory_space<hbm>> -> memref<128x64xf32, #tpu.memory_space<hbm>>
      %dma_wait3A_1142 = tpu.memref_slice %arg8[%dma_wait3A_1133] : memref<8x!tpu.dma_semaphore, #tpu.memory_space<semaphore_mem>> -> memref<1x!tpu.dma_semaphore, #tpu.memory_space<semaphore_mem>>
      %dma_wait3A_1143 = tpu.memref_squeeze %dma_wait3A_1142 : memref<1x!tpu.dma_semaphore, #tpu.memory_space<semaphore_mem>> -> memref<!tpu.dma_semaphore, #tpu.memory_space<semaphore_mem>>
      %dma_wait3A_1144 = arith.constant 0 : i32
      %dma_wait3A_1145 = arith.constant 0 : i32
      %dma_wait3A_1146 = tpu.memref_slice %arg4[%add3A, %add3A_1131, %dma_wait3A_1144, %dma_wait3A_1145] : memref<32x224x128x128xf32, #tpu.memory_space<hbm>> -> memref<1x1x128x64xf32, #tpu.memory_space<hbm>>
      %dma_wait3A_1147 = tpu.memref_squeeze %dma_wait3A_1146 : memref<1x1x128x64xf32, #tpu.memory_space<hbm>> -> memref<128x64xf32, #tpu.memory_space<hbm>>
      %dma_wait3A_1148 = arith.constant 0 : i32
      %dma_wait3A_1149 = arith.constant 0 : i32
      %dma_wait3A_1150 = tpu.memref_slice %arg6[%dma_wait3A_1132, %dma_wait3A_1148, %dma_wait3A_1149] : memref<8x128x64xf32, #tpu.memory_space<vmem>> -> memref<1x128x64xf32, #tpu.memory_space<vmem>>
      %dma_wait3A_1151 = tpu.memref_squeeze %dma_wait3A_1150 : memref<1x128x64xf32, #tpu.memory_space<vmem>> -> memref<128x64xf32, #tpu.memory_space<vmem>>
      tpu.wait_dma2 semaphore(%dma_wait3A_1143 : memref<!tpu.dma_semaphore, #tpu.memory_space<semaphore_mem>>) src(%dma_wait3A_1151 : memref<128x64xf32, #tpu.memory_space<vmem>>) dst(%dma_wait3A_1147 : memref<128x64xf32, #tpu.memory_space<hbm>>)
      %add3A_1152 = arith.constant 8 : i32
      %add3A_1153 = arith.addi %add3A_585, %add3A_1152 : i32
      %add3A_1154 = arith.constant 6 : i32
      %add3A_1155 = arith.addi %add3A_1153, %add3A_1154 : i32
      %dma_start3A_1156 = arith.constant 6 : i32
      %dma_start3A_1157 = arith.constant 6 : i32
      %dma_start3A_1158 = arith.constant 0 : i32
      %dma_start3A_1159 = arith.constant 0 : i32
      %dma_start3A_1160 = tpu.memref_slice %arg6[%dma_start3A_1156, %dma_start3A_1158, %dma_start3A_1159] : memref<8x128x64xf32, #tpu.memory_space<vmem>> -> memref<1x128x64xf32, #tpu.memory_space<vmem>>
      %dma_start3A_1161 = tpu.memref_squeeze %dma_start3A_1160 : memref<1x128x64xf32, #tpu.memory_space<vmem>> -> memref<128x64xf32, #tpu.memory_space<vmem>>
      %dma_start3A_1162 = arith.constant 0 : i32
      %dma_start3A_1163 = tpu.memref_slice %arg5[%add3A_1155, %dma_start3A_1162] : memref<224x128xi32, #tpu.memory_space<vmem>> -> memref<1x128xi32, #tpu.memory_space<vmem>>
      %dma_start3A_1164 = tpu.memref_squeeze %dma_start3A_1163 : memref<1x128xi32, #tpu.memory_space<vmem>> -> memref<128xi32, #tpu.memory_space<vmem>>
      %dma_start3A_1165 = arith.constant 0 : i32
      %dma_start3A_1166 = arith.constant 0 : i32
      %dma_start3A_1167 = tpu.memref_slice %arg3[%dma_start3A_1165, %dma_start3A_1166] : memref<1000000x64xf32, #tpu.memory_space<hbm>> -> memref<1000000x64xf32, #tpu.memory_space<hbm>>
      %dma_start3A_1168 = tpu.memref_slice %arg7[%dma_start3A_1157] : memref<8x!tpu.dma_semaphore, #tpu.memory_space<semaphore_mem>> -> memref<1x!tpu.dma_semaphore, #tpu.memory_space<semaphore_mem>>
      %dma_start3A_1169 = tpu.memref_squeeze %dma_start3A_1168 : memref<1x!tpu.dma_semaphore, #tpu.memory_space<semaphore_mem>> -> memref<!tpu.dma_semaphore, #tpu.memory_space<semaphore_mem>>
      tpu.enqueue_indirect_dma source(%dma_start3A_1167 : memref<1000000x64xf32, #tpu.memory_space<hbm>>) target(%dma_start3A_1161 : memref<128x64xf32, #tpu.memory_space<vmem>>) offsets(%dma_start3A_1164 : memref<128xi32, #tpu.memory_space<vmem>>) semaphore(%dma_start3A_1169 : memref<!tpu.dma_semaphore, #tpu.memory_space<semaphore_mem>>)
      %add3A_1170 = arith.constant 7 : i32
      %add3A_1171 = arith.addi %add3A_585, %add3A_1170 : i32
      %dma_wait3A_1172 = arith.constant 7 : i32
      %dma_wait3A_1173 = arith.constant 7 : i32
      %dma_wait3A_1174 = arith.constant 0 : i32
      %dma_wait3A_1175 = arith.constant 0 : i32
      %dma_wait3A_1176 = tpu.memref_slice %arg6[%dma_wait3A_1172, %dma_wait3A_1174, %dma_wait3A_1175] : memref<8x128x64xf32, #tpu.memory_space<vmem>> -> memref<1x128x64xf32, #tpu.memory_space<vmem>>
      %dma_wait3A_1177 = tpu.memref_squeeze %dma_wait3A_1176 : memref<1x128x64xf32, #tpu.memory_space<vmem>> -> memref<128x64xf32, #tpu.memory_space<vmem>>
      %dma_wait3A_1178 = arith.constant 0 : i32
      %dma_wait3A_1179 = arith.constant 0 : i32
      %dma_wait3A_1180 = tpu.memref_slice %arg4[%add3A, %add3A_1171, %dma_wait3A_1178, %dma_wait3A_1179] : memref<32x224x128x128xf32, #tpu.memory_space<hbm>> -> memref<1x1x128x64xf32, #tpu.memory_space<hbm>>
      %dma_wait3A_1181 = tpu.memref_squeeze %dma_wait3A_1180 : memref<1x1x128x64xf32, #tpu.memory_space<hbm>> -> memref<128x64xf32, #tpu.memory_space<hbm>>
      %dma_wait3A_1182 = tpu.memref_slice %arg8[%dma_wait3A_1173] : memref<8x!tpu.dma_semaphore, #tpu.memory_space<semaphore_mem>> -> memref<1x!tpu.dma_semaphore, #tpu.memory_space<semaphore_mem>>
      %dma_wait3A_1183 = tpu.memref_squeeze %dma_wait3A_1182 : memref<1x!tpu.dma_semaphore, #tpu.memory_space<semaphore_mem>> -> memref<!tpu.dma_semaphore, #tpu.memory_space<semaphore_mem>>
      %dma_wait3A_1184 = arith.constant 0 : i32
      %dma_wait3A_1185 = arith.constant 0 : i32
      %dma_wait3A_1186 = tpu.memref_slice %arg4[%add3A, %add3A_1171, %dma_wait3A_1184, %dma_wait3A_1185] : memref<32x224x128x128xf32, #tpu.memory_space<hbm>> -> memref<1x1x128x64xf32, #tpu.memory_space<hbm>>
      %dma_wait3A_1187 = tpu.memref_squeeze %dma_wait3A_1186 : memref<1x1x128x64xf32, #tpu.memory_space<hbm>> -> memref<128x64xf32, #tpu.memory_space<hbm>>
      %dma_wait3A_1188 = arith.constant 0 : i32
      %dma_wait3A_1189 = arith.constant 0 : i32
      %dma_wait3A_1190 = tpu.memref_slice %arg6[%dma_wait3A_1172, %dma_wait3A_1188, %dma_wait3A_1189] : memref<8x128x64xf32, #tpu.memory_space<vmem>> -> memref<1x128x64xf32, #tpu.memory_space<vmem>>
      %dma_wait3A_1191 = tpu.memref_squeeze %dma_wait3A_1190 : memref<1x128x64xf32, #tpu.memory_space<vmem>> -> memref<128x64xf32, #tpu.memory_space<vmem>>
      tpu.wait_dma2 semaphore(%dma_wait3A_1183 : memref<!tpu.dma_semaphore, #tpu.memory_space<semaphore_mem>>) src(%dma_wait3A_1191 : memref<128x64xf32, #tpu.memory_space<vmem>>) dst(%dma_wait3A_1187 : memref<128x64xf32, #tpu.memory_space<hbm>>)
      %add3A_1192 = arith.constant 8 : i32
      %add3A_1193 = arith.addi %add3A_585, %add3A_1192 : i32
      %add3A_1194 = arith.constant 7 : i32
      %add3A_1195 = arith.addi %add3A_1193, %add3A_1194 : i32
      %dma_start3A_1196 = arith.constant 7 : i32
      %dma_start3A_1197 = arith.constant 7 : i32
      %dma_start3A_1198 = arith.constant 0 : i32
      %dma_start3A_1199 = arith.constant 0 : i32
      %dma_start3A_1200 = tpu.memref_slice %arg6[%dma_start3A_1196, %dma_start3A_1198, %dma_start3A_1199] : memref<8x128x64xf32, #tpu.memory_space<vmem>> -> memref<1x128x64xf32, #tpu.memory_space<vmem>>
      %dma_start3A_1201 = tpu.memref_squeeze %dma_start3A_1200 : memref<1x128x64xf32, #tpu.memory_space<vmem>> -> memref<128x64xf32, #tpu.memory_space<vmem>>
      %dma_start3A_1202 = arith.constant 0 : i32
      %dma_start3A_1203 = tpu.memref_slice %arg5[%add3A_1195, %dma_start3A_1202] : memref<224x128xi32, #tpu.memory_space<vmem>> -> memref<1x128xi32, #tpu.memory_space<vmem>>
      %dma_start3A_1204 = tpu.memref_squeeze %dma_start3A_1203 : memref<1x128xi32, #tpu.memory_space<vmem>> -> memref<128xi32, #tpu.memory_space<vmem>>
      %dma_start3A_1205 = arith.constant 0 : i32
      %dma_start3A_1206 = arith.constant 0 : i32
      %dma_start3A_1207 = tpu.memref_slice %arg3[%dma_start3A_1205, %dma_start3A_1206] : memref<1000000x64xf32, #tpu.memory_space<hbm>> -> memref<1000000x64xf32, #tpu.memory_space<hbm>>
      %dma_start3A_1208 = tpu.memref_slice %arg7[%dma_start3A_1197] : memref<8x!tpu.dma_semaphore, #tpu.memory_space<semaphore_mem>> -> memref<1x!tpu.dma_semaphore, #tpu.memory_space<semaphore_mem>>
      %dma_start3A_1209 = tpu.memref_squeeze %dma_start3A_1208 : memref<1x!tpu.dma_semaphore, #tpu.memory_space<semaphore_mem>> -> memref<!tpu.dma_semaphore, #tpu.memory_space<semaphore_mem>>
      tpu.enqueue_indirect_dma source(%dma_start3A_1207 : memref<1000000x64xf32, #tpu.memory_space<hbm>>) target(%dma_start3A_1201 : memref<128x64xf32, #tpu.memory_space<vmem>>) offsets(%dma_start3A_1204 : memref<128xi32, #tpu.memory_space<vmem>>) semaphore(%dma_start3A_1209 : memref<!tpu.dma_semaphore, #tpu.memory_space<semaphore_mem>>)
    }
    %scan3A_125 = arith.constant 27 : i32
    %dma_wait3A = arith.constant 216 : i32
    %dma_wait3A_126 = arith.constant 0 : i32
    %dma_wait3A_127 = arith.constant 0 : i32
    %dma_wait3A_128 = arith.constant 0 : i32
    %dma_wait3A_129 = arith.constant 0 : i32
    %dma_wait3A_130 = tpu.memref_slice %arg6[%dma_wait3A_126, %dma_wait3A_128, %dma_wait3A_129] : memref<8x128x64xf32, #tpu.memory_space<vmem>> -> memref<1x128x64xf32, #tpu.memory_space<vmem>>
    %dma_wait3A_131 = tpu.memref_squeeze %dma_wait3A_130 : memref<1x128x64xf32, #tpu.memory_space<vmem>> -> memref<128x64xf32, #tpu.memory_space<vmem>>
    %dma_wait3A_132 = arith.constant 0 : i32
    %dma_wait3A_133 = tpu.memref_slice %arg5[%dma_wait3A, %dma_wait3A_132] : memref<224x128xi32, #tpu.memory_space<vmem>> -> memref<1x128xi32, #tpu.memory_space<vmem>>
    %dma_wait3A_134 = tpu.memref_squeeze %dma_wait3A_133 : memref<1x128xi32, #tpu.memory_space<vmem>> -> memref<128xi32, #tpu.memory_space<vmem>>
    %dma_wait3A_135 = arith.constant 0 : i32
    %dma_wait3A_136 = arith.constant 0 : i32
    %dma_wait3A_137 = tpu.memref_slice %arg3[%dma_wait3A_135, %dma_wait3A_136] : memref<1000000x64xf32, #tpu.memory_space<hbm>> -> memref<1000000x64xf32, #tpu.memory_space<hbm>>
    %dma_wait3A_138 = tpu.memref_slice %arg7[%dma_wait3A_127] : memref<8x!tpu.dma_semaphore, #tpu.memory_space<semaphore_mem>> -> memref<1x!tpu.dma_semaphore, #tpu.memory_space<semaphore_mem>>
    %dma_wait3A_139 = tpu.memref_squeeze %dma_wait3A_138 : memref<1x!tpu.dma_semaphore, #tpu.memory_space<semaphore_mem>> -> memref<!tpu.dma_semaphore, #tpu.memory_space<semaphore_mem>>
    tpu.wait_indirect_dma semaphore(%dma_wait3A_139 : memref<!tpu.dma_semaphore, #tpu.memory_space<semaphore_mem>>) src(%dma_wait3A_137 : memref<1000000x64xf32, #tpu.memory_space<hbm>>) dst(%dma_wait3A_131 : memref<128x64xf32, #tpu.memory_space<vmem>>)
    %dma_start3A_140 = arith.constant 0 : i32
    %dma_start3A_141 = arith.constant 216 : i32
    %dma_start3A_142 = arith.constant 0 : i32
    %dma_start3A_143 = arith.constant 0 : i32
    %dma_start3A_144 = arith.constant 0 : i32
    %dma_start3A_145 = tpu.memref_slice %arg6[%dma_start3A_140, %dma_start3A_143, %dma_start3A_144] : memref<8x128x64xf32, #tpu.memory_space<vmem>> -> memref<1x128x64xf32, #tpu.memory_space<vmem>>
    %dma_start3A_146 = tpu.memref_squeeze %dma_start3A_145 : memref<1x128x64xf32, #tpu.memory_space<vmem>> -> memref<128x64xf32, #tpu.memory_space<vmem>>
    %dma_start3A_147 = arith.constant 0 : i32
    %dma_start3A_148 = arith.constant 0 : i32
    %dma_start3A_149 = tpu.memref_slice %arg4[%add3A, %dma_start3A_141, %dma_start3A_147, %dma_start3A_148] : memref<32x224x128x128xf32, #tpu.memory_space<hbm>> -> memref<1x1x128x64xf32, #tpu.memory_space<hbm>>
    %dma_start3A_150 = tpu.memref_squeeze %dma_start3A_149 : memref<1x1x128x64xf32, #tpu.memory_space<hbm>> -> memref<128x64xf32, #tpu.memory_space<hbm>>
    %dma_start3A_151 = tpu.memref_slice %arg8[%dma_start3A_142] : memref<8x!tpu.dma_semaphore, #tpu.memory_space<semaphore_mem>> -> memref<1x!tpu.dma_semaphore, #tpu.memory_space<semaphore_mem>>
    %dma_start3A_152 = tpu.memref_squeeze %dma_start3A_151 : memref<1x!tpu.dma_semaphore, #tpu.memory_space<semaphore_mem>> -> memref<!tpu.dma_semaphore, #tpu.memory_space<semaphore_mem>>
    %dma_start3A_153 = arith.constant 0 : i32
    %dma_start3A_154 = arith.constant 0 : i32
    %dma_start3A_155 = tpu.memref_slice %arg4[%add3A, %dma_start3A_141, %dma_start3A_153, %dma_start3A_154] : memref<32x224x128x128xf32, #tpu.memory_space<hbm>> -> memref<1x1x128x64xf32, #tpu.memory_space<hbm>>
    %dma_start3A_156 = tpu.memref_squeeze %dma_start3A_155 : memref<1x1x128x64xf32, #tpu.memory_space<hbm>> -> memref<128x64xf32, #tpu.memory_space<hbm>>
    %dma_start3A_157 = arith.constant 0 : i32
    %dma_start3A_158 = arith.constant 0 : i32
    %dma_start3A_159 = tpu.memref_slice %arg6[%dma_start3A_140, %dma_start3A_157, %dma_start3A_158] : memref<8x128x64xf32, #tpu.memory_space<vmem>> -> memref<1x128x64xf32, #tpu.memory_space<vmem>>
    %dma_start3A_160 = tpu.memref_squeeze %dma_start3A_159 : memref<1x128x64xf32, #tpu.memory_space<vmem>> -> memref<128x64xf32, #tpu.memory_space<vmem>>
    tpu.enqueue_dma source(%dma_start3A_160 : memref<128x64xf32, #tpu.memory_space<vmem>>) target(%dma_start3A_156 : memref<128x64xf32, #tpu.memory_space<hbm>>) target_semaphore(%dma_start3A_152 : memref<!tpu.dma_semaphore, #tpu.memory_space<semaphore_mem>>)
    %dma_wait3A_161 = arith.constant 217 : i32
    %dma_wait3A_162 = arith.constant 1 : i32
    %dma_wait3A_163 = arith.constant 1 : i32
    %dma_wait3A_164 = arith.constant 0 : i32
    %dma_wait3A_165 = arith.constant 0 : i32
    %dma_wait3A_166 = tpu.memref_slice %arg6[%dma_wait3A_162, %dma_wait3A_164, %dma_wait3A_165] : memref<8x128x64xf32, #tpu.memory_space<vmem>> -> memref<1x128x64xf32, #tpu.memory_space<vmem>>
    %dma_wait3A_167 = tpu.memref_squeeze %dma_wait3A_166 : memref<1x128x64xf32, #tpu.memory_space<vmem>> -> memref<128x64xf32, #tpu.memory_space<vmem>>
    %dma_wait3A_168 = arith.constant 0 : i32
    %dma_wait3A_169 = tpu.memref_slice %arg5[%dma_wait3A_161, %dma_wait3A_168] : memref<224x128xi32, #tpu.memory_space<vmem>> -> memref<1x128xi32, #tpu.memory_space<vmem>>
    %dma_wait3A_170 = tpu.memref_squeeze %dma_wait3A_169 : memref<1x128xi32, #tpu.memory_space<vmem>> -> memref<128xi32, #tpu.memory_space<vmem>>
    %dma_wait3A_171 = arith.constant 0 : i32
    %dma_wait3A_172 = arith.constant 0 : i32
    %dma_wait3A_173 = tpu.memref_slice %arg3[%dma_wait3A_171, %dma_wait3A_172] : memref<1000000x64xf32, #tpu.memory_space<hbm>> -> memref<1000000x64xf32, #tpu.memory_space<hbm>>
    %dma_wait3A_174 = tpu.memref_slice %arg7[%dma_wait3A_163] : memref<8x!tpu.dma_semaphore, #tpu.memory_space<semaphore_mem>> -> memref<1x!tpu.dma_semaphore, #tpu.memory_space<semaphore_mem>>
    %dma_wait3A_175 = tpu.memref_squeeze %dma_wait3A_174 : memref<1x!tpu.dma_semaphore, #tpu.memory_space<semaphore_mem>> -> memref<!tpu.dma_semaphore, #tpu.memory_space<semaphore_mem>>
    tpu.wait_indirect_dma semaphore(%dma_wait3A_175 : memref<!tpu.dma_semaphore, #tpu.memory_space<semaphore_mem>>) src(%dma_wait3A_173 : memref<1000000x64xf32, #tpu.memory_space<hbm>>) dst(%dma_wait3A_167 : memref<128x64xf32, #tpu.memory_space<vmem>>)
    %dma_start3A_176 = arith.constant 1 : i32
    %dma_start3A_177 = arith.constant 217 : i32
    %dma_start3A_178 = arith.constant 1 : i32
    %dma_start3A_179 = arith.constant 0 : i32
    %dma_start3A_180 = arith.constant 0 : i32
    %dma_start3A_181 = tpu.memref_slice %arg6[%dma_start3A_176, %dma_start3A_179, %dma_start3A_180] : memref<8x128x64xf32, #tpu.memory_space<vmem>> -> memref<1x128x64xf32, #tpu.memory_space<vmem>>
    %dma_start3A_182 = tpu.memref_squeeze %dma_start3A_181 : memref<1x128x64xf32, #tpu.memory_space<vmem>> -> memref<128x64xf32, #tpu.memory_space<vmem>>
    %dma_start3A_183 = arith.constant 0 : i32
    %dma_start3A_184 = arith.constant 0 : i32
    %dma_start3A_185 = tpu.memref_slice %arg4[%add3A, %dma_start3A_177, %dma_start3A_183, %dma_start3A_184] : memref<32x224x128x128xf32, #tpu.memory_space<hbm>> -> memref<1x1x128x64xf32, #tpu.memory_space<hbm>>
    %dma_start3A_186 = tpu.memref_squeeze %dma_start3A_185 : memref<1x1x128x64xf32, #tpu.memory_space<hbm>> -> memref<128x64xf32, #tpu.memory_space<hbm>>
    %dma_start3A_187 = tpu.memref_slice %arg8[%dma_start3A_178] : memref<8x!tpu.dma_semaphore, #tpu.memory_space<semaphore_mem>> -> memref<1x!tpu.dma_semaphore, #tpu.memory_space<semaphore_mem>>
    %dma_start3A_188 = tpu.memref_squeeze %dma_start3A_187 : memref<1x!tpu.dma_semaphore, #tpu.memory_space<semaphore_mem>> -> memref<!tpu.dma_semaphore, #tpu.memory_space<semaphore_mem>>
    %dma_start3A_189 = arith.constant 0 : i32
    %dma_start3A_190 = arith.constant 0 : i32
    %dma_start3A_191 = tpu.memref_slice %arg4[%add3A, %dma_start3A_177, %dma_start3A_189, %dma_start3A_190] : memref<32x224x128x128xf32, #tpu.memory_space<hbm>> -> memref<1x1x128x64xf32, #tpu.memory_space<hbm>>
    %dma_start3A_192 = tpu.memref_squeeze %dma_start3A_191 : memref<1x1x128x64xf32, #tpu.memory_space<hbm>> -> memref<128x64xf32, #tpu.memory_space<hbm>>
    %dma_start3A_193 = arith.constant 0 : i32
    %dma_start3A_194 = arith.constant 0 : i32
    %dma_start3A_195 = tpu.memref_slice %arg6[%dma_start3A_176, %dma_start3A_193, %dma_start3A_194] : memref<8x128x64xf32, #tpu.memory_space<vmem>> -> memref<1x128x64xf32, #tpu.memory_space<vmem>>
    %dma_start3A_196 = tpu.memref_squeeze %dma_start3A_195 : memref<1x128x64xf32, #tpu.memory_space<vmem>> -> memref<128x64xf32, #tpu.memory_space<vmem>>
    tpu.enqueue_dma source(%dma_start3A_196 : memref<128x64xf32, #tpu.memory_space<vmem>>) target(%dma_start3A_192 : memref<128x64xf32, #tpu.memory_space<hbm>>) target_semaphore(%dma_start3A_188 : memref<!tpu.dma_semaphore, #tpu.memory_space<semaphore_mem>>)
    %dma_wait3A_197 = arith.constant 218 : i32
    %dma_wait3A_198 = arith.constant 2 : i32
    %dma_wait3A_199 = arith.constant 2 : i32
    %dma_wait3A_200 = arith.constant 0 : i32
    %dma_wait3A_201 = arith.constant 0 : i32
    %dma_wait3A_202 = tpu.memref_slice %arg6[%dma_wait3A_198, %dma_wait3A_200, %dma_wait3A_201] : memref<8x128x64xf32, #tpu.memory_space<vmem>> -> memref<1x128x64xf32, #tpu.memory_space<vmem>>
    %dma_wait3A_203 = tpu.memref_squeeze %dma_wait3A_202 : memref<1x128x64xf32, #tpu.memory_space<vmem>> -> memref<128x64xf32, #tpu.memory_space<vmem>>
    %dma_wait3A_204 = arith.constant 0 : i32
    %dma_wait3A_205 = tpu.memref_slice %arg5[%dma_wait3A_197, %dma_wait3A_204] : memref<224x128xi32, #tpu.memory_space<vmem>> -> memref<1x128xi32, #tpu.memory_space<vmem>>
    %dma_wait3A_206 = tpu.memref_squeeze %dma_wait3A_205 : memref<1x128xi32, #tpu.memory_space<vmem>> -> memref<128xi32, #tpu.memory_space<vmem>>
    %dma_wait3A_207 = arith.constant 0 : i32
    %dma_wait3A_208 = arith.constant 0 : i32
    %dma_wait3A_209 = tpu.memref_slice %arg3[%dma_wait3A_207, %dma_wait3A_208] : memref<1000000x64xf32, #tpu.memory_space<hbm>> -> memref<1000000x64xf32, #tpu.memory_space<hbm>>
    %dma_wait3A_210 = tpu.memref_slice %arg7[%dma_wait3A_199] : memref<8x!tpu.dma_semaphore, #tpu.memory_space<semaphore_mem>> -> memref<1x!tpu.dma_semaphore, #tpu.memory_space<semaphore_mem>>
    %dma_wait3A_211 = tpu.memref_squeeze %dma_wait3A_210 : memref<1x!tpu.dma_semaphore, #tpu.memory_space<semaphore_mem>> -> memref<!tpu.dma_semaphore, #tpu.memory_space<semaphore_mem>>
    tpu.wait_indirect_dma semaphore(%dma_wait3A_211 : memref<!tpu.dma_semaphore, #tpu.memory_space<semaphore_mem>>) src(%dma_wait3A_209 : memref<1000000x64xf32, #tpu.memory_space<hbm>>) dst(%dma_wait3A_203 : memref<128x64xf32, #tpu.memory_space<vmem>>)
    %dma_start3A_212 = arith.constant 2 : i32
    %dma_start3A_213 = arith.constant 218 : i32
    %dma_start3A_214 = arith.constant 2 : i32
    %dma_start3A_215 = arith.constant 0 : i32
    %dma_start3A_216 = arith.constant 0 : i32
    %dma_start3A_217 = tpu.memref_slice %arg6[%dma_start3A_212, %dma_start3A_215, %dma_start3A_216] : memref<8x128x64xf32, #tpu.memory_space<vmem>> -> memref<1x128x64xf32, #tpu.memory_space<vmem>>
    %dma_start3A_218 = tpu.memref_squeeze %dma_start3A_217 : memref<1x128x64xf32, #tpu.memory_space<vmem>> -> memref<128x64xf32, #tpu.memory_space<vmem>>
    %dma_start3A_219 = arith.constant 0 : i32
    %dma_start3A_220 = arith.constant 0 : i32
    %dma_start3A_221 = tpu.memref_slice %arg4[%add3A, %dma_start3A_213, %dma_start3A_219, %dma_start3A_220] : memref<32x224x128x128xf32, #tpu.memory_space<hbm>> -> memref<1x1x128x64xf32, #tpu.memory_space<hbm>>
    %dma_start3A_222 = tpu.memref_squeeze %dma_start3A_221 : memref<1x1x128x64xf32, #tpu.memory_space<hbm>> -> memref<128x64xf32, #tpu.memory_space<hbm>>
    %dma_start3A_223 = tpu.memref_slice %arg8[%dma_start3A_214] : memref<8x!tpu.dma_semaphore, #tpu.memory_space<semaphore_mem>> -> memref<1x!tpu.dma_semaphore, #tpu.memory_space<semaphore_mem>>
    %dma_start3A_224 = tpu.memref_squeeze %dma_start3A_223 : memref<1x!tpu.dma_semaphore, #tpu.memory_space<semaphore_mem>> -> memref<!tpu.dma_semaphore, #tpu.memory_space<semaphore_mem>>
    %dma_start3A_225 = arith.constant 0 : i32
    %dma_start3A_226 = arith.constant 0 : i32
    %dma_start3A_227 = tpu.memref_slice %arg4[%add3A, %dma_start3A_213, %dma_start3A_225, %dma_start3A_226] : memref<32x224x128x128xf32, #tpu.memory_space<hbm>> -> memref<1x1x128x64xf32, #tpu.memory_space<hbm>>
    %dma_start3A_228 = tpu.memref_squeeze %dma_start3A_227 : memref<1x1x128x64xf32, #tpu.memory_space<hbm>> -> memref<128x64xf32, #tpu.memory_space<hbm>>
    %dma_start3A_229 = arith.constant 0 : i32
    %dma_start3A_230 = arith.constant 0 : i32
    %dma_start3A_231 = tpu.memref_slice %arg6[%dma_start3A_212, %dma_start3A_229, %dma_start3A_230] : memref<8x128x64xf32, #tpu.memory_space<vmem>> -> memref<1x128x64xf32, #tpu.memory_space<vmem>>
    %dma_start3A_232 = tpu.memref_squeeze %dma_start3A_231 : memref<1x128x64xf32, #tpu.memory_space<vmem>> -> memref<128x64xf32, #tpu.memory_space<vmem>>
    tpu.enqueue_dma source(%dma_start3A_232 : memref<128x64xf32, #tpu.memory_space<vmem>>) target(%dma_start3A_228 : memref<128x64xf32, #tpu.memory_space<hbm>>) target_semaphore(%dma_start3A_224 : memref<!tpu.dma_semaphore, #tpu.memory_space<semaphore_mem>>)
    %dma_wait3A_233 = arith.constant 219 : i32
    %dma_wait3A_234 = arith.constant 3 : i32
    %dma_wait3A_235 = arith.constant 3 : i32
    %dma_wait3A_236 = arith.constant 0 : i32
    %dma_wait3A_237 = arith.constant 0 : i32
    %dma_wait3A_238 = tpu.memref_slice %arg6[%dma_wait3A_234, %dma_wait3A_236, %dma_wait3A_237] : memref<8x128x64xf32, #tpu.memory_space<vmem>> -> memref<1x128x64xf32, #tpu.memory_space<vmem>>
    %dma_wait3A_239 = tpu.memref_squeeze %dma_wait3A_238 : memref<1x128x64xf32, #tpu.memory_space<vmem>> -> memref<128x64xf32, #tpu.memory_space<vmem>>
    %dma_wait3A_240 = arith.constant 0 : i32
    %dma_wait3A_241 = tpu.memref_slice %arg5[%dma_wait3A_233, %dma_wait3A_240] : memref<224x128xi32, #tpu.memory_space<vmem>> -> memref<1x128xi32, #tpu.memory_space<vmem>>
    %dma_wait3A_242 = tpu.memref_squeeze %dma_wait3A_241 : memref<1x128xi32, #tpu.memory_space<vmem>> -> memref<128xi32, #tpu.memory_space<vmem>>
    %dma_wait3A_243 = arith.constant 0 : i32
    %dma_wait3A_244 = arith.constant 0 : i32
    %dma_wait3A_245 = tpu.memref_slice %arg3[%dma_wait3A_243, %dma_wait3A_244] : memref<1000000x64xf32, #tpu.memory_space<hbm>> -> memref<1000000x64xf32, #tpu.memory_space<hbm>>
    %dma_wait3A_246 = tpu.memref_slice %arg7[%dma_wait3A_235] : memref<8x!tpu.dma_semaphore, #tpu.memory_space<semaphore_mem>> -> memref<1x!tpu.dma_semaphore, #tpu.memory_space<semaphore_mem>>
    %dma_wait3A_247 = tpu.memref_squeeze %dma_wait3A_246 : memref<1x!tpu.dma_semaphore, #tpu.memory_space<semaphore_mem>> -> memref<!tpu.dma_semaphore, #tpu.memory_space<semaphore_mem>>
    tpu.wait_indirect_dma semaphore(%dma_wait3A_247 : memref<!tpu.dma_semaphore, #tpu.memory_space<semaphore_mem>>) src(%dma_wait3A_245 : memref<1000000x64xf32, #tpu.memory_space<hbm>>) dst(%dma_wait3A_239 : memref<128x64xf32, #tpu.memory_space<vmem>>)
    %dma_start3A_248 = arith.constant 3 : i32
    %dma_start3A_249 = arith.constant 219 : i32
    %dma_start3A_250 = arith.constant 3 : i32
    %dma_start3A_251 = arith.constant 0 : i32
    %dma_start3A_252 = arith.constant 0 : i32
    %dma_start3A_253 = tpu.memref_slice %arg6[%dma_start3A_248, %dma_start3A_251, %dma_start3A_252] : memref<8x128x64xf32, #tpu.memory_space<vmem>> -> memref<1x128x64xf32, #tpu.memory_space<vmem>>
    %dma_start3A_254 = tpu.memref_squeeze %dma_start3A_253 : memref<1x128x64xf32, #tpu.memory_space<vmem>> -> memref<128x64xf32, #tpu.memory_space<vmem>>
    %dma_start3A_255 = arith.constant 0 : i32
    %dma_start3A_256 = arith.constant 0 : i32
    %dma_start3A_257 = tpu.memref_slice %arg4[%add3A, %dma_start3A_249, %dma_start3A_255, %dma_start3A_256] : memref<32x224x128x128xf32, #tpu.memory_space<hbm>> -> memref<1x1x128x64xf32, #tpu.memory_space<hbm>>
    %dma_start3A_258 = tpu.memref_squeeze %dma_start3A_257 : memref<1x1x128x64xf32, #tpu.memory_space<hbm>> -> memref<128x64xf32, #tpu.memory_space<hbm>>
    %dma_start3A_259 = tpu.memref_slice %arg8[%dma_start3A_250] : memref<8x!tpu.dma_semaphore, #tpu.memory_space<semaphore_mem>> -> memref<1x!tpu.dma_semaphore, #tpu.memory_space<semaphore_mem>>
    %dma_start3A_260 = tpu.memref_squeeze %dma_start3A_259 : memref<1x!tpu.dma_semaphore, #tpu.memory_space<semaphore_mem>> -> memref<!tpu.dma_semaphore, #tpu.memory_space<semaphore_mem>>
    %dma_start3A_261 = arith.constant 0 : i32
    %dma_start3A_262 = arith.constant 0 : i32
    %dma_start3A_263 = tpu.memref_slice %arg4[%add3A, %dma_start3A_249, %dma_start3A_261, %dma_start3A_262] : memref<32x224x128x128xf32, #tpu.memory_space<hbm>> -> memref<1x1x128x64xf32, #tpu.memory_space<hbm>>
    %dma_start3A_264 = tpu.memref_squeeze %dma_start3A_263 : memref<1x1x128x64xf32, #tpu.memory_space<hbm>> -> memref<128x64xf32, #tpu.memory_space<hbm>>
    %dma_start3A_265 = arith.constant 0 : i32
    %dma_start3A_266 = arith.constant 0 : i32
    %dma_start3A_267 = tpu.memref_slice %arg6[%dma_start3A_248, %dma_start3A_265, %dma_start3A_266] : memref<8x128x64xf32, #tpu.memory_space<vmem>> -> memref<1x128x64xf32, #tpu.memory_space<vmem>>
    %dma_start3A_268 = tpu.memref_squeeze %dma_start3A_267 : memref<1x128x64xf32, #tpu.memory_space<vmem>> -> memref<128x64xf32, #tpu.memory_space<vmem>>
    tpu.enqueue_dma source(%dma_start3A_268 : memref<128x64xf32, #tpu.memory_space<vmem>>) target(%dma_start3A_264 : memref<128x64xf32, #tpu.memory_space<hbm>>) target_semaphore(%dma_start3A_260 : memref<!tpu.dma_semaphore, #tpu.memory_space<semaphore_mem>>)
    %dma_wait3A_269 = arith.constant 220 : i32
    %dma_wait3A_270 = arith.constant 4 : i32
    %dma_wait3A_271 = arith.constant 4 : i32
    %dma_wait3A_272 = arith.constant 0 : i32
    %dma_wait3A_273 = arith.constant 0 : i32
    %dma_wait3A_274 = tpu.memref_slice %arg6[%dma_wait3A_270, %dma_wait3A_272, %dma_wait3A_273] : memref<8x128x64xf32, #tpu.memory_space<vmem>> -> memref<1x128x64xf32, #tpu.memory_space<vmem>>
    %dma_wait3A_275 = tpu.memref_squeeze %dma_wait3A_274 : memref<1x128x64xf32, #tpu.memory_space<vmem>> -> memref<128x64xf32, #tpu.memory_space<vmem>>
    %dma_wait3A_276 = arith.constant 0 : i32
    %dma_wait3A_277 = tpu.memref_slice %arg5[%dma_wait3A_269, %dma_wait3A_276] : memref<224x128xi32, #tpu.memory_space<vmem>> -> memref<1x128xi32, #tpu.memory_space<vmem>>
    %dma_wait3A_278 = tpu.memref_squeeze %dma_wait3A_277 : memref<1x128xi32, #tpu.memory_space<vmem>> -> memref<128xi32, #tpu.memory_space<vmem>>
    %dma_wait3A_279 = arith.constant 0 : i32
    %dma_wait3A_280 = arith.constant 0 : i32
    %dma_wait3A_281 = tpu.memref_slice %arg3[%dma_wait3A_279, %dma_wait3A_280] : memref<1000000x64xf32, #tpu.memory_space<hbm>> -> memref<1000000x64xf32, #tpu.memory_space<hbm>>
    %dma_wait3A_282 = tpu.memref_slice %arg7[%dma_wait3A_271] : memref<8x!tpu.dma_semaphore, #tpu.memory_space<semaphore_mem>> -> memref<1x!tpu.dma_semaphore, #tpu.memory_space<semaphore_mem>>
    %dma_wait3A_283 = tpu.memref_squeeze %dma_wait3A_282 : memref<1x!tpu.dma_semaphore, #tpu.memory_space<semaphore_mem>> -> memref<!tpu.dma_semaphore, #tpu.memory_space<semaphore_mem>>
    tpu.wait_indirect_dma semaphore(%dma_wait3A_283 : memref<!tpu.dma_semaphore, #tpu.memory_space<semaphore_mem>>) src(%dma_wait3A_281 : memref<1000000x64xf32, #tpu.memory_space<hbm>>) dst(%dma_wait3A_275 : memref<128x64xf32, #tpu.memory_space<vmem>>)
    %dma_start3A_284 = arith.constant 4 : i32
    %dma_start3A_285 = arith.constant 220 : i32
    %dma_start3A_286 = arith.constant 4 : i32
    %dma_start3A_287 = arith.constant 0 : i32
    %dma_start3A_288 = arith.constant 0 : i32
    %dma_start3A_289 = tpu.memref_slice %arg6[%dma_start3A_284, %dma_start3A_287, %dma_start3A_288] : memref<8x128x64xf32, #tpu.memory_space<vmem>> -> memref<1x128x64xf32, #tpu.memory_space<vmem>>
    %dma_start3A_290 = tpu.memref_squeeze %dma_start3A_289 : memref<1x128x64xf32, #tpu.memory_space<vmem>> -> memref<128x64xf32, #tpu.memory_space<vmem>>
    %dma_start3A_291 = arith.constant 0 : i32
    %dma_start3A_292 = arith.constant 0 : i32
    %dma_start3A_293 = tpu.memref_slice %arg4[%add3A, %dma_start3A_285, %dma_start3A_291, %dma_start3A_292] : memref<32x224x128x128xf32, #tpu.memory_space<hbm>> -> memref<1x1x128x64xf32, #tpu.memory_space<hbm>>
    %dma_start3A_294 = tpu.memref_squeeze %dma_start3A_293 : memref<1x1x128x64xf32, #tpu.memory_space<hbm>> -> memref<128x64xf32, #tpu.memory_space<hbm>>
    %dma_start3A_295 = tpu.memref_slice %arg8[%dma_start3A_286] : memref<8x!tpu.dma_semaphore, #tpu.memory_space<semaphore_mem>> -> memref<1x!tpu.dma_semaphore, #tpu.memory_space<semaphore_mem>>
    %dma_start3A_296 = tpu.memref_squeeze %dma_start3A_295 : memref<1x!tpu.dma_semaphore, #tpu.memory_space<semaphore_mem>> -> memref<!tpu.dma_semaphore, #tpu.memory_space<semaphore_mem>>
    %dma_start3A_297 = arith.constant 0 : i32
    %dma_start3A_298 = arith.constant 0 : i32
    %dma_start3A_299 = tpu.memref_slice %arg4[%add3A, %dma_start3A_285, %dma_start3A_297, %dma_start3A_298] : memref<32x224x128x128xf32, #tpu.memory_space<hbm>> -> memref<1x1x128x64xf32, #tpu.memory_space<hbm>>
    %dma_start3A_300 = tpu.memref_squeeze %dma_start3A_299 : memref<1x1x128x64xf32, #tpu.memory_space<hbm>> -> memref<128x64xf32, #tpu.memory_space<hbm>>
    %dma_start3A_301 = arith.constant 0 : i32
    %dma_start3A_302 = arith.constant 0 : i32
    %dma_start3A_303 = tpu.memref_slice %arg6[%dma_start3A_284, %dma_start3A_301, %dma_start3A_302] : memref<8x128x64xf32, #tpu.memory_space<vmem>> -> memref<1x128x64xf32, #tpu.memory_space<vmem>>
    %dma_start3A_304 = tpu.memref_squeeze %dma_start3A_303 : memref<1x128x64xf32, #tpu.memory_space<vmem>> -> memref<128x64xf32, #tpu.memory_space<vmem>>
    tpu.enqueue_dma source(%dma_start3A_304 : memref<128x64xf32, #tpu.memory_space<vmem>>) target(%dma_start3A_300 : memref<128x64xf32, #tpu.memory_space<hbm>>) target_semaphore(%dma_start3A_296 : memref<!tpu.dma_semaphore, #tpu.memory_space<semaphore_mem>>)
    %dma_wait3A_305 = arith.constant 221 : i32
    %dma_wait3A_306 = arith.constant 5 : i32
    %dma_wait3A_307 = arith.constant 5 : i32
    %dma_wait3A_308 = arith.constant 0 : i32
    %dma_wait3A_309 = arith.constant 0 : i32
    %dma_wait3A_310 = tpu.memref_slice %arg6[%dma_wait3A_306, %dma_wait3A_308, %dma_wait3A_309] : memref<8x128x64xf32, #tpu.memory_space<vmem>> -> memref<1x128x64xf32, #tpu.memory_space<vmem>>
    %dma_wait3A_311 = tpu.memref_squeeze %dma_wait3A_310 : memref<1x128x64xf32, #tpu.memory_space<vmem>> -> memref<128x64xf32, #tpu.memory_space<vmem>>
    %dma_wait3A_312 = arith.constant 0 : i32
    %dma_wait3A_313 = tpu.memref_slice %arg5[%dma_wait3A_305, %dma_wait3A_312] : memref<224x128xi32, #tpu.memory_space<vmem>> -> memref<1x128xi32, #tpu.memory_space<vmem>>
    %dma_wait3A_314 = tpu.memref_squeeze %dma_wait3A_313 : memref<1x128xi32, #tpu.memory_space<vmem>> -> memref<128xi32, #tpu.memory_space<vmem>>
    %dma_wait3A_315 = arith.constant 0 : i32
    %dma_wait3A_316 = arith.constant 0 : i32
    %dma_wait3A_317 = tpu.memref_slice %arg3[%dma_wait3A_315, %dma_wait3A_316] : memref<1000000x64xf32, #tpu.memory_space<hbm>> -> memref<1000000x64xf32, #tpu.memory_space<hbm>>
    %dma_wait3A_318 = tpu.memref_slice %arg7[%dma_wait3A_307] : memref<8x!tpu.dma_semaphore, #tpu.memory_space<semaphore_mem>> -> memref<1x!tpu.dma_semaphore, #tpu.memory_space<semaphore_mem>>
    %dma_wait3A_319 = tpu.memref_squeeze %dma_wait3A_318 : memref<1x!tpu.dma_semaphore, #tpu.memory_space<semaphore_mem>> -> memref<!tpu.dma_semaphore, #tpu.memory_space<semaphore_mem>>
    tpu.wait_indirect_dma semaphore(%dma_wait3A_319 : memref<!tpu.dma_semaphore, #tpu.memory_space<semaphore_mem>>) src(%dma_wait3A_317 : memref<1000000x64xf32, #tpu.memory_space<hbm>>) dst(%dma_wait3A_311 : memref<128x64xf32, #tpu.memory_space<vmem>>)
    %dma_start3A_320 = arith.constant 5 : i32
    %dma_start3A_321 = arith.constant 221 : i32
    %dma_start3A_322 = arith.constant 5 : i32
    %dma_start3A_323 = arith.constant 0 : i32
    %dma_start3A_324 = arith.constant 0 : i32
    %dma_start3A_325 = tpu.memref_slice %arg6[%dma_start3A_320, %dma_start3A_323, %dma_start3A_324] : memref<8x128x64xf32, #tpu.memory_space<vmem>> -> memref<1x128x64xf32, #tpu.memory_space<vmem>>
    %dma_start3A_326 = tpu.memref_squeeze %dma_start3A_325 : memref<1x128x64xf32, #tpu.memory_space<vmem>> -> memref<128x64xf32, #tpu.memory_space<vmem>>
    %dma_start3A_327 = arith.constant 0 : i32
    %dma_start3A_328 = arith.constant 0 : i32
    %dma_start3A_329 = tpu.memref_slice %arg4[%add3A, %dma_start3A_321, %dma_start3A_327, %dma_start3A_328] : memref<32x224x128x128xf32, #tpu.memory_space<hbm>> -> memref<1x1x128x64xf32, #tpu.memory_space<hbm>>
    %dma_start3A_330 = tpu.memref_squeeze %dma_start3A_329 : memref<1x1x128x64xf32, #tpu.memory_space<hbm>> -> memref<128x64xf32, #tpu.memory_space<hbm>>
    %dma_start3A_331 = tpu.memref_slice %arg8[%dma_start3A_322] : memref<8x!tpu.dma_semaphore, #tpu.memory_space<semaphore_mem>> -> memref<1x!tpu.dma_semaphore, #tpu.memory_space<semaphore_mem>>
    %dma_start3A_332 = tpu.memref_squeeze %dma_start3A_331 : memref<1x!tpu.dma_semaphore, #tpu.memory_space<semaphore_mem>> -> memref<!tpu.dma_semaphore, #tpu.memory_space<semaphore_mem>>
    %dma_start3A_333 = arith.constant 0 : i32
    %dma_start3A_334 = arith.constant 0 : i32
    %dma_start3A_335 = tpu.memref_slice %arg4[%add3A, %dma_start3A_321, %dma_start3A_333, %dma_start3A_334] : memref<32x224x128x128xf32, #tpu.memory_space<hbm>> -> memref<1x1x128x64xf32, #tpu.memory_space<hbm>>
    %dma_start3A_336 = tpu.memref_squeeze %dma_start3A_335 : memref<1x1x128x64xf32, #tpu.memory_space<hbm>> -> memref<128x64xf32, #tpu.memory_space<hbm>>
    %dma_start3A_337 = arith.constant 0 : i32
    %dma_start3A_338 = arith.constant 0 : i32
    %dma_start3A_339 = tpu.memref_slice %arg6[%dma_start3A_320, %dma_start3A_337, %dma_start3A_338] : memref<8x128x64xf32, #tpu.memory_space<vmem>> -> memref<1x128x64xf32, #tpu.memory_space<vmem>>
    %dma_start3A_340 = tpu.memref_squeeze %dma_start3A_339 : memref<1x128x64xf32, #tpu.memory_space<vmem>> -> memref<128x64xf32, #tpu.memory_space<vmem>>
    tpu.enqueue_dma source(%dma_start3A_340 : memref<128x64xf32, #tpu.memory_space<vmem>>) target(%dma_start3A_336 : memref<128x64xf32, #tpu.memory_space<hbm>>) target_semaphore(%dma_start3A_332 : memref<!tpu.dma_semaphore, #tpu.memory_space<semaphore_mem>>)
    %dma_wait3A_341 = arith.constant 222 : i32
    %dma_wait3A_342 = arith.constant 6 : i32
    %dma_wait3A_343 = arith.constant 6 : i32
    %dma_wait3A_344 = arith.constant 0 : i32
    %dma_wait3A_345 = arith.constant 0 : i32
    %dma_wait3A_346 = tpu.memref_slice %arg6[%dma_wait3A_342, %dma_wait3A_344, %dma_wait3A_345] : memref<8x128x64xf32, #tpu.memory_space<vmem>> -> memref<1x128x64xf32, #tpu.memory_space<vmem>>
    %dma_wait3A_347 = tpu.memref_squeeze %dma_wait3A_346 : memref<1x128x64xf32, #tpu.memory_space<vmem>> -> memref<128x64xf32, #tpu.memory_space<vmem>>
    %dma_wait3A_348 = arith.constant 0 : i32
    %dma_wait3A_349 = tpu.memref_slice %arg5[%dma_wait3A_341, %dma_wait3A_348] : memref<224x128xi32, #tpu.memory_space<vmem>> -> memref<1x128xi32, #tpu.memory_space<vmem>>
    %dma_wait3A_350 = tpu.memref_squeeze %dma_wait3A_349 : memref<1x128xi32, #tpu.memory_space<vmem>> -> memref<128xi32, #tpu.memory_space<vmem>>
    %dma_wait3A_351 = arith.constant 0 : i32
    %dma_wait3A_352 = arith.constant 0 : i32
    %dma_wait3A_353 = tpu.memref_slice %arg3[%dma_wait3A_351, %dma_wait3A_352] : memref<1000000x64xf32, #tpu.memory_space<hbm>> -> memref<1000000x64xf32, #tpu.memory_space<hbm>>
    %dma_wait3A_354 = tpu.memref_slice %arg7[%dma_wait3A_343] : memref<8x!tpu.dma_semaphore, #tpu.memory_space<semaphore_mem>> -> memref<1x!tpu.dma_semaphore, #tpu.memory_space<semaphore_mem>>
    %dma_wait3A_355 = tpu.memref_squeeze %dma_wait3A_354 : memref<1x!tpu.dma_semaphore, #tpu.memory_space<semaphore_mem>> -> memref<!tpu.dma_semaphore, #tpu.memory_space<semaphore_mem>>
    tpu.wait_indirect_dma semaphore(%dma_wait3A_355 : memref<!tpu.dma_semaphore, #tpu.memory_space<semaphore_mem>>) src(%dma_wait3A_353 : memref<1000000x64xf32, #tpu.memory_space<hbm>>) dst(%dma_wait3A_347 : memref<128x64xf32, #tpu.memory_space<vmem>>)
    %dma_start3A_356 = arith.constant 6 : i32
    %dma_start3A_357 = arith.constant 222 : i32
    %dma_start3A_358 = arith.constant 6 : i32
    %dma_start3A_359 = arith.constant 0 : i32
    %dma_start3A_360 = arith.constant 0 : i32
    %dma_start3A_361 = tpu.memref_slice %arg6[%dma_start3A_356, %dma_start3A_359, %dma_start3A_360] : memref<8x128x64xf32, #tpu.memory_space<vmem>> -> memref<1x128x64xf32, #tpu.memory_space<vmem>>
    %dma_start3A_362 = tpu.memref_squeeze %dma_start3A_361 : memref<1x128x64xf32, #tpu.memory_space<vmem>> -> memref<128x64xf32, #tpu.memory_space<vmem>>
    %dma_start3A_363 = arith.constant 0 : i32
    %dma_start3A_364 = arith.constant 0 : i32
    %dma_start3A_365 = tpu.memref_slice %arg4[%add3A, %dma_start3A_357, %dma_start3A_363, %dma_start3A_364] : memref<32x224x128x128xf32, #tpu.memory_space<hbm>> -> memref<1x1x128x64xf32, #tpu.memory_space<hbm>>
    %dma_start3A_366 = tpu.memref_squeeze %dma_start3A_365 : memref<1x1x128x64xf32, #tpu.memory_space<hbm>> -> memref<128x64xf32, #tpu.memory_space<hbm>>
    %dma_start3A_367 = tpu.memref_slice %arg8[%dma_start3A_358] : memref<8x!tpu.dma_semaphore, #tpu.memory_space<semaphore_mem>> -> memref<1x!tpu.dma_semaphore, #tpu.memory_space<semaphore_mem>>
    %dma_start3A_368 = tpu.memref_squeeze %dma_start3A_367 : memref<1x!tpu.dma_semaphore, #tpu.memory_space<semaphore_mem>> -> memref<!tpu.dma_semaphore, #tpu.memory_space<semaphore_mem>>
    %dma_start3A_369 = arith.constant 0 : i32
    %dma_start3A_370 = arith.constant 0 : i32
    %dma_start3A_371 = tpu.memref_slice %arg4[%add3A, %dma_start3A_357, %dma_start3A_369, %dma_start3A_370] : memref<32x224x128x128xf32, #tpu.memory_space<hbm>> -> memref<1x1x128x64xf32, #tpu.memory_space<hbm>>
    %dma_start3A_372 = tpu.memref_squeeze %dma_start3A_371 : memref<1x1x128x64xf32, #tpu.memory_space<hbm>> -> memref<128x64xf32, #tpu.memory_space<hbm>>
    %dma_start3A_373 = arith.constant 0 : i32
    %dma_start3A_374 = arith.constant 0 : i32
    %dma_start3A_375 = tpu.memref_slice %arg6[%dma_start3A_356, %dma_start3A_373, %dma_start3A_374] : memref<8x128x64xf32, #tpu.memory_space<vmem>> -> memref<1x128x64xf32, #tpu.memory_space<vmem>>
    %dma_start3A_376 = tpu.memref_squeeze %dma_start3A_375 : memref<1x128x64xf32, #tpu.memory_space<vmem>> -> memref<128x64xf32, #tpu.memory_space<vmem>>
    tpu.enqueue_dma source(%dma_start3A_376 : memref<128x64xf32, #tpu.memory_space<vmem>>) target(%dma_start3A_372 : memref<128x64xf32, #tpu.memory_space<hbm>>) target_semaphore(%dma_start3A_368 : memref<!tpu.dma_semaphore, #tpu.memory_space<semaphore_mem>>)
    %dma_wait3A_377 = arith.constant 223 : i32
    %dma_wait3A_378 = arith.constant 7 : i32
    %dma_wait3A_379 = arith.constant 7 : i32
    %dma_wait3A_380 = arith.constant 0 : i32
    %dma_wait3A_381 = arith.constant 0 : i32
    %dma_wait3A_382 = tpu.memref_slice %arg6[%dma_wait3A_378, %dma_wait3A_380, %dma_wait3A_381] : memref<8x128x64xf32, #tpu.memory_space<vmem>> -> memref<1x128x64xf32, #tpu.memory_space<vmem>>
    %dma_wait3A_383 = tpu.memref_squeeze %dma_wait3A_382 : memref<1x128x64xf32, #tpu.memory_space<vmem>> -> memref<128x64xf32, #tpu.memory_space<vmem>>
    %dma_wait3A_384 = arith.constant 0 : i32
    %dma_wait3A_385 = tpu.memref_slice %arg5[%dma_wait3A_377, %dma_wait3A_384] : memref<224x128xi32, #tpu.memory_space<vmem>> -> memref<1x128xi32, #tpu.memory_space<vmem>>
    %dma_wait3A_386 = tpu.memref_squeeze %dma_wait3A_385 : memref<1x128xi32, #tpu.memory_space<vmem>> -> memref<128xi32, #tpu.memory_space<vmem>>
    %dma_wait3A_387 = arith.constant 0 : i32
    %dma_wait3A_388 = arith.constant 0 : i32
    %dma_wait3A_389 = tpu.memref_slice %arg3[%dma_wait3A_387, %dma_wait3A_388] : memref<1000000x64xf32, #tpu.memory_space<hbm>> -> memref<1000000x64xf32, #tpu.memory_space<hbm>>
    %dma_wait3A_390 = tpu.memref_slice %arg7[%dma_wait3A_379] : memref<8x!tpu.dma_semaphore, #tpu.memory_space<semaphore_mem>> -> memref<1x!tpu.dma_semaphore, #tpu.memory_space<semaphore_mem>>
    %dma_wait3A_391 = tpu.memref_squeeze %dma_wait3A_390 : memref<1x!tpu.dma_semaphore, #tpu.memory_space<semaphore_mem>> -> memref<!tpu.dma_semaphore, #tpu.memory_space<semaphore_mem>>
    tpu.wait_indirect_dma semaphore(%dma_wait3A_391 : memref<!tpu.dma_semaphore, #tpu.memory_space<semaphore_mem>>) src(%dma_wait3A_389 : memref<1000000x64xf32, #tpu.memory_space<hbm>>) dst(%dma_wait3A_383 : memref<128x64xf32, #tpu.memory_space<vmem>>)
    %dma_start3A_392 = arith.constant 7 : i32
    %dma_start3A_393 = arith.constant 223 : i32
    %dma_start3A_394 = arith.constant 7 : i32
    %dma_start3A_395 = arith.constant 0 : i32
    %dma_start3A_396 = arith.constant 0 : i32
    %dma_start3A_397 = tpu.memref_slice %arg6[%dma_start3A_392, %dma_start3A_395, %dma_start3A_396] : memref<8x128x64xf32, #tpu.memory_space<vmem>> -> memref<1x128x64xf32, #tpu.memory_space<vmem>>
    %dma_start3A_398 = tpu.memref_squeeze %dma_start3A_397 : memref<1x128x64xf32, #tpu.memory_space<vmem>> -> memref<128x64xf32, #tpu.memory_space<vmem>>
    %dma_start3A_399 = arith.constant 0 : i32
    %dma_start3A_400 = arith.constant 0 : i32
    %dma_start3A_401 = tpu.memref_slice %arg4[%add3A, %dma_start3A_393, %dma_start3A_399, %dma_start3A_400] : memref<32x224x128x128xf32, #tpu.memory_space<hbm>> -> memref<1x1x128x64xf32, #tpu.memory_space<hbm>>
    %dma_start3A_402 = tpu.memref_squeeze %dma_start3A_401 : memref<1x1x128x64xf32, #tpu.memory_space<hbm>> -> memref<128x64xf32, #tpu.memory_space<hbm>>
    %dma_start3A_403 = tpu.memref_slice %arg8[%dma_start3A_394] : memref<8x!tpu.dma_semaphore, #tpu.memory_space<semaphore_mem>> -> memref<1x!tpu.dma_semaphore, #tpu.memory_space<semaphore_mem>>
    %dma_start3A_404 = tpu.memref_squeeze %dma_start3A_403 : memref<1x!tpu.dma_semaphore, #tpu.memory_space<semaphore_mem>> -> memref<!tpu.dma_semaphore, #tpu.memory_space<semaphore_mem>>
    %dma_start3A_405 = arith.constant 0 : i32
    %dma_start3A_406 = arith.constant 0 : i32
    %dma_start3A_407 = tpu.memref_slice %arg4[%add3A, %dma_start3A_393, %dma_start3A_405, %dma_start3A_406] : memref<32x224x128x128xf32, #tpu.memory_space<hbm>> -> memref<1x1x128x64xf32, #tpu.memory_space<hbm>>
    %dma_start3A_408 = tpu.memref_squeeze %dma_start3A_407 : memref<1x1x128x64xf32, #tpu.memory_space<hbm>> -> memref<128x64xf32, #tpu.memory_space<hbm>>
    %dma_start3A_409 = arith.constant 0 : i32
    %dma_start3A_410 = arith.constant 0 : i32
    %dma_start3A_411 = tpu.memref_slice %arg6[%dma_start3A_392, %dma_start3A_409, %dma_start3A_410] : memref<8x128x64xf32, #tpu.memory_space<vmem>> -> memref<1x128x64xf32, #tpu.memory_space<vmem>>
    %dma_start3A_412 = tpu.memref_squeeze %dma_start3A_411 : memref<1x128x64xf32, #tpu.memory_space<vmem>> -> memref<128x64xf32, #tpu.memory_space<vmem>>
    tpu.enqueue_dma source(%dma_start3A_412 : memref<128x64xf32, #tpu.memory_space<vmem>>) target(%dma_start3A_408 : memref<128x64xf32, #tpu.memory_space<hbm>>) target_semaphore(%dma_start3A_404 : memref<!tpu.dma_semaphore, #tpu.memory_space<semaphore_mem>>)
    %dma_wait3A_413 = arith.constant 0 : i32
    %dma_wait3A_414 = arith.constant 216 : i32
    %dma_wait3A_415 = arith.constant 0 : i32
    %dma_wait3A_416 = arith.constant 0 : i32
    %dma_wait3A_417 = arith.constant 0 : i32
    %dma_wait3A_418 = tpu.memref_slice %arg6[%dma_wait3A_413, %dma_wait3A_416, %dma_wait3A_417] : memref<8x128x64xf32, #tpu.memory_space<vmem>> -> memref<1x128x64xf32, #tpu.memory_space<vmem>>
    %dma_wait3A_419 = tpu.memref_squeeze %dma_wait3A_418 : memref<1x128x64xf32, #tpu.memory_space<vmem>> -> memref<128x64xf32, #tpu.memory_space<vmem>>
    %dma_wait3A_420 = arith.constant 0 : i32
    %dma_wait3A_421 = arith.constant 0 : i32
    %dma_wait3A_422 = tpu.memref_slice %arg4[%add3A, %dma_wait3A_414, %dma_wait3A_420, %dma_wait3A_421] : memref<32x224x128x128xf32, #tpu.memory_space<hbm>> -> memref<1x1x128x64xf32, #tpu.memory_space<hbm>>
    %dma_wait3A_423 = tpu.memref_squeeze %dma_wait3A_422 : memref<1x1x128x64xf32, #tpu.memory_space<hbm>> -> memref<128x64xf32, #tpu.memory_space<hbm>>
    %dma_wait3A_424 = tpu.memref_slice %arg8[%dma_wait3A_415] : memref<8x!tpu.dma_semaphore, #tpu.memory_space<semaphore_mem>> -> memref<1x!tpu.dma_semaphore, #tpu.memory_space<semaphore_mem>>
    %dma_wait3A_425 = tpu.memref_squeeze %dma_wait3A_424 : memref<1x!tpu.dma_semaphore, #tpu.memory_space<semaphore_mem>> -> memref<!tpu.dma_semaphore, #tpu.memory_space<semaphore_mem>>
    %dma_wait3A_426 = arith.constant 0 : i32
    %dma_wait3A_427 = arith.constant 0 : i32
    %dma_wait3A_428 = tpu.memref_slice %arg4[%add3A, %dma_wait3A_414, %dma_wait3A_426, %dma_wait3A_427] : memref<32x224x128x128xf32, #tpu.memory_space<hbm>> -> memref<1x1x128x64xf32, #tpu.memory_space<hbm>>
    %dma_wait3A_429 = tpu.memref_squeeze %dma_wait3A_428 : memref<1x1x128x64xf32, #tpu.memory_space<hbm>> -> memref<128x64xf32, #tpu.memory_space<hbm>>
    %dma_wait3A_430 = arith.constant 0 : i32
    %dma_wait3A_431 = arith.constant 0 : i32
    %dma_wait3A_432 = tpu.memref_slice %arg6[%dma_wait3A_413, %dma_wait3A_430, %dma_wait3A_431] : memref<8x128x64xf32, #tpu.memory_space<vmem>> -> memref<1x128x64xf32, #tpu.memory_space<vmem>>
    %dma_wait3A_433 = tpu.memref_squeeze %dma_wait3A_432 : memref<1x128x64xf32, #tpu.memory_space<vmem>> -> memref<128x64xf32, #tpu.memory_space<vmem>>
    tpu.wait_dma2 semaphore(%dma_wait3A_425 : memref<!tpu.dma_semaphore, #tpu.memory_space<semaphore_mem>>) src(%dma_wait3A_433 : memref<128x64xf32, #tpu.memory_space<vmem>>) dst(%dma_wait3A_429 : memref<128x64xf32, #tpu.memory_space<hbm>>)
    %dma_wait3A_434 = arith.constant 1 : i32
    %dma_wait3A_435 = arith.constant 217 : i32
    %dma_wait3A_436 = arith.constant 1 : i32
    %dma_wait3A_437 = arith.constant 0 : i32
    %dma_wait3A_438 = arith.constant 0 : i32
    %dma_wait3A_439 = tpu.memref_slice %arg6[%dma_wait3A_434, %dma_wait3A_437, %dma_wait3A_438] : memref<8x128x64xf32, #tpu.memory_space<vmem>> -> memref<1x128x64xf32, #tpu.memory_space<vmem>>
    %dma_wait3A_440 = tpu.memref_squeeze %dma_wait3A_439 : memref<1x128x64xf32, #tpu.memory_space<vmem>> -> memref<128x64xf32, #tpu.memory_space<vmem>>
    %dma_wait3A_441 = arith.constant 0 : i32
    %dma_wait3A_442 = arith.constant 0 : i32
    %dma_wait3A_443 = tpu.memref_slice %arg4[%add3A, %dma_wait3A_435, %dma_wait3A_441, %dma_wait3A_442] : memref<32x224x128x128xf32, #tpu.memory_space<hbm>> -> memref<1x1x128x64xf32, #tpu.memory_space<hbm>>
    %dma_wait3A_444 = tpu.memref_squeeze %dma_wait3A_443 : memref<1x1x128x64xf32, #tpu.memory_space<hbm>> -> memref<128x64xf32, #tpu.memory_space<hbm>>
    %dma_wait3A_445 = tpu.memref_slice %arg8[%dma_wait3A_436] : memref<8x!tpu.dma_semaphore, #tpu.memory_space<semaphore_mem>> -> memref<1x!tpu.dma_semaphore, #tpu.memory_space<semaphore_mem>>
    %dma_wait3A_446 = tpu.memref_squeeze %dma_wait3A_445 : memref<1x!tpu.dma_semaphore, #tpu.memory_space<semaphore_mem>> -> memref<!tpu.dma_semaphore, #tpu.memory_space<semaphore_mem>>
    %dma_wait3A_447 = arith.constant 0 : i32
    %dma_wait3A_448 = arith.constant 0 : i32
    %dma_wait3A_449 = tpu.memref_slice %arg4[%add3A, %dma_wait3A_435, %dma_wait3A_447, %dma_wait3A_448] : memref<32x224x128x128xf32, #tpu.memory_space<hbm>> -> memref<1x1x128x64xf32, #tpu.memory_space<hbm>>
    %dma_wait3A_450 = tpu.memref_squeeze %dma_wait3A_449 : memref<1x1x128x64xf32, #tpu.memory_space<hbm>> -> memref<128x64xf32, #tpu.memory_space<hbm>>
    %dma_wait3A_451 = arith.constant 0 : i32
    %dma_wait3A_452 = arith.constant 0 : i32
    %dma_wait3A_453 = tpu.memref_slice %arg6[%dma_wait3A_434, %dma_wait3A_451, %dma_wait3A_452] : memref<8x128x64xf32, #tpu.memory_space<vmem>> -> memref<1x128x64xf32, #tpu.memory_space<vmem>>
    %dma_wait3A_454 = tpu.memref_squeeze %dma_wait3A_453 : memref<1x128x64xf32, #tpu.memory_space<vmem>> -> memref<128x64xf32, #tpu.memory_space<vmem>>
    tpu.wait_dma2 semaphore(%dma_wait3A_446 : memref<!tpu.dma_semaphore, #tpu.memory_space<semaphore_mem>>) src(%dma_wait3A_454 : memref<128x64xf32, #tpu.memory_space<vmem>>) dst(%dma_wait3A_450 : memref<128x64xf32, #tpu.memory_space<hbm>>)
    %dma_wait3A_455 = arith.constant 2 : i32
    %dma_wait3A_456 = arith.constant 218 : i32
    %dma_wait3A_457 = arith.constant 2 : i32
    %dma_wait3A_458 = arith.constant 0 : i32
    %dma_wait3A_459 = arith.constant 0 : i32
    %dma_wait3A_460 = tpu.memref_slice %arg6[%dma_wait3A_455, %dma_wait3A_458, %dma_wait3A_459] : memref<8x128x64xf32, #tpu.memory_space<vmem>> -> memref<1x128x64xf32, #tpu.memory_space<vmem>>
    %dma_wait3A_461 = tpu.memref_squeeze %dma_wait3A_460 : memref<1x128x64xf32, #tpu.memory_space<vmem>> -> memref<128x64xf32, #tpu.memory_space<vmem>>
    %dma_wait3A_462 = arith.constant 0 : i32
    %dma_wait3A_463 = arith.constant 0 : i32
    %dma_wait3A_464 = tpu.memref_slice %arg4[%add3A, %dma_wait3A_456, %dma_wait3A_462, %dma_wait3A_463] : memref<32x224x128x128xf32, #tpu.memory_space<hbm>> -> memref<1x1x128x64xf32, #tpu.memory_space<hbm>>
    %dma_wait3A_465 = tpu.memref_squeeze %dma_wait3A_464 : memref<1x1x128x64xf32, #tpu.memory_space<hbm>> -> memref<128x64xf32, #tpu.memory_space<hbm>>
    %dma_wait3A_466 = tpu.memref_slice %arg8[%dma_wait3A_457] : memref<8x!tpu.dma_semaphore, #tpu.memory_space<semaphore_mem>> -> memref<1x!tpu.dma_semaphore, #tpu.memory_space<semaphore_mem>>
    %dma_wait3A_467 = tpu.memref_squeeze %dma_wait3A_466 : memref<1x!tpu.dma_semaphore, #tpu.memory_space<semaphore_mem>> -> memref<!tpu.dma_semaphore, #tpu.memory_space<semaphore_mem>>
    %dma_wait3A_468 = arith.constant 0 : i32
    %dma_wait3A_469 = arith.constant 0 : i32
    %dma_wait3A_470 = tpu.memref_slice %arg4[%add3A, %dma_wait3A_456, %dma_wait3A_468, %dma_wait3A_469] : memref<32x224x128x128xf32, #tpu.memory_space<hbm>> -> memref<1x1x128x64xf32, #tpu.memory_space<hbm>>
    %dma_wait3A_471 = tpu.memref_squeeze %dma_wait3A_470 : memref<1x1x128x64xf32, #tpu.memory_space<hbm>> -> memref<128x64xf32, #tpu.memory_space<hbm>>
    %dma_wait3A_472 = arith.constant 0 : i32
    %dma_wait3A_473 = arith.constant 0 : i32
    %dma_wait3A_474 = tpu.memref_slice %arg6[%dma_wait3A_455, %dma_wait3A_472, %dma_wait3A_473] : memref<8x128x64xf32, #tpu.memory_space<vmem>> -> memref<1x128x64xf32, #tpu.memory_space<vmem>>
    %dma_wait3A_475 = tpu.memref_squeeze %dma_wait3A_474 : memref<1x128x64xf32, #tpu.memory_space<vmem>> -> memref<128x64xf32, #tpu.memory_space<vmem>>
    tpu.wait_dma2 semaphore(%dma_wait3A_467 : memref<!tpu.dma_semaphore, #tpu.memory_space<semaphore_mem>>) src(%dma_wait3A_475 : memref<128x64xf32, #tpu.memory_space<vmem>>) dst(%dma_wait3A_471 : memref<128x64xf32, #tpu.memory_space<hbm>>)
    %dma_wait3A_476 = arith.constant 3 : i32
    %dma_wait3A_477 = arith.constant 219 : i32
    %dma_wait3A_478 = arith.constant 3 : i32
    %dma_wait3A_479 = arith.constant 0 : i32
    %dma_wait3A_480 = arith.constant 0 : i32
    %dma_wait3A_481 = tpu.memref_slice %arg6[%dma_wait3A_476, %dma_wait3A_479, %dma_wait3A_480] : memref<8x128x64xf32, #tpu.memory_space<vmem>> -> memref<1x128x64xf32, #tpu.memory_space<vmem>>
    %dma_wait3A_482 = tpu.memref_squeeze %dma_wait3A_481 : memref<1x128x64xf32, #tpu.memory_space<vmem>> -> memref<128x64xf32, #tpu.memory_space<vmem>>
    %dma_wait3A_483 = arith.constant 0 : i32
    %dma_wait3A_484 = arith.constant 0 : i32
    %dma_wait3A_485 = tpu.memref_slice %arg4[%add3A, %dma_wait3A_477, %dma_wait3A_483, %dma_wait3A_484] : memref<32x224x128x128xf32, #tpu.memory_space<hbm>> -> memref<1x1x128x64xf32, #tpu.memory_space<hbm>>
    %dma_wait3A_486 = tpu.memref_squeeze %dma_wait3A_485 : memref<1x1x128x64xf32, #tpu.memory_space<hbm>> -> memref<128x64xf32, #tpu.memory_space<hbm>>
    %dma_wait3A_487 = tpu.memref_slice %arg8[%dma_wait3A_478] : memref<8x!tpu.dma_semaphore, #tpu.memory_space<semaphore_mem>> -> memref<1x!tpu.dma_semaphore, #tpu.memory_space<semaphore_mem>>
    %dma_wait3A_488 = tpu.memref_squeeze %dma_wait3A_487 : memref<1x!tpu.dma_semaphore, #tpu.memory_space<semaphore_mem>> -> memref<!tpu.dma_semaphore, #tpu.memory_space<semaphore_mem>>
    %dma_wait3A_489 = arith.constant 0 : i32
    %dma_wait3A_490 = arith.constant 0 : i32
    %dma_wait3A_491 = tpu.memref_slice %arg4[%add3A, %dma_wait3A_477, %dma_wait3A_489, %dma_wait3A_490] : memref<32x224x128x128xf32, #tpu.memory_space<hbm>> -> memref<1x1x128x64xf32, #tpu.memory_space<hbm>>
    %dma_wait3A_492 = tpu.memref_squeeze %dma_wait3A_491 : memref<1x1x128x64xf32, #tpu.memory_space<hbm>> -> memref<128x64xf32, #tpu.memory_space<hbm>>
    %dma_wait3A_493 = arith.constant 0 : i32
    %dma_wait3A_494 = arith.constant 0 : i32
    %dma_wait3A_495 = tpu.memref_slice %arg6[%dma_wait3A_476, %dma_wait3A_493, %dma_wait3A_494] : memref<8x128x64xf32, #tpu.memory_space<vmem>> -> memref<1x128x64xf32, #tpu.memory_space<vmem>>
    %dma_wait3A_496 = tpu.memref_squeeze %dma_wait3A_495 : memref<1x128x64xf32, #tpu.memory_space<vmem>> -> memref<128x64xf32, #tpu.memory_space<vmem>>
    tpu.wait_dma2 semaphore(%dma_wait3A_488 : memref<!tpu.dma_semaphore, #tpu.memory_space<semaphore_mem>>) src(%dma_wait3A_496 : memref<128x64xf32, #tpu.memory_space<vmem>>) dst(%dma_wait3A_492 : memref<128x64xf32, #tpu.memory_space<hbm>>)
    %dma_wait3A_497 = arith.constant 4 : i32
    %dma_wait3A_498 = arith.constant 220 : i32
    %dma_wait3A_499 = arith.constant 4 : i32
    %dma_wait3A_500 = arith.constant 0 : i32
    %dma_wait3A_501 = arith.constant 0 : i32
    %dma_wait3A_502 = tpu.memref_slice %arg6[%dma_wait3A_497, %dma_wait3A_500, %dma_wait3A_501] : memref<8x128x64xf32, #tpu.memory_space<vmem>> -> memref<1x128x64xf32, #tpu.memory_space<vmem>>
    %dma_wait3A_503 = tpu.memref_squeeze %dma_wait3A_502 : memref<1x128x64xf32, #tpu.memory_space<vmem>> -> memref<128x64xf32, #tpu.memory_space<vmem>>
    %dma_wait3A_504 = arith.constant 0 : i32
    %dma_wait3A_505 = arith.constant 0 : i32
    %dma_wait3A_506 = tpu.memref_slice %arg4[%add3A, %dma_wait3A_498, %dma_wait3A_504, %dma_wait3A_505] : memref<32x224x128x128xf32, #tpu.memory_space<hbm>> -> memref<1x1x128x64xf32, #tpu.memory_space<hbm>>
    %dma_wait3A_507 = tpu.memref_squeeze %dma_wait3A_506 : memref<1x1x128x64xf32, #tpu.memory_space<hbm>> -> memref<128x64xf32, #tpu.memory_space<hbm>>
    %dma_wait3A_508 = tpu.memref_slice %arg8[%dma_wait3A_499] : memref<8x!tpu.dma_semaphore, #tpu.memory_space<semaphore_mem>> -> memref<1x!tpu.dma_semaphore, #tpu.memory_space<semaphore_mem>>
    %dma_wait3A_509 = tpu.memref_squeeze %dma_wait3A_508 : memref<1x!tpu.dma_semaphore, #tpu.memory_space<semaphore_mem>> -> memref<!tpu.dma_semaphore, #tpu.memory_space<semaphore_mem>>
    %dma_wait3A_510 = arith.constant 0 : i32
    %dma_wait3A_511 = arith.constant 0 : i32
    %dma_wait3A_512 = tpu.memref_slice %arg4[%add3A, %dma_wait3A_498, %dma_wait3A_510, %dma_wait3A_511] : memref<32x224x128x128xf32, #tpu.memory_space<hbm>> -> memref<1x1x128x64xf32, #tpu.memory_space<hbm>>
    %dma_wait3A_513 = tpu.memref_squeeze %dma_wait3A_512 : memref<1x1x128x64xf32, #tpu.memory_space<hbm>> -> memref<128x64xf32, #tpu.memory_space<hbm>>
    %dma_wait3A_514 = arith.constant 0 : i32
    %dma_wait3A_515 = arith.constant 0 : i32
    %dma_wait3A_516 = tpu.memref_slice %arg6[%dma_wait3A_497, %dma_wait3A_514, %dma_wait3A_515] : memref<8x128x64xf32, #tpu.memory_space<vmem>> -> memref<1x128x64xf32, #tpu.memory_space<vmem>>
    %dma_wait3A_517 = tpu.memref_squeeze %dma_wait3A_516 : memref<1x128x64xf32, #tpu.memory_space<vmem>> -> memref<128x64xf32, #tpu.memory_space<vmem>>
    tpu.wait_dma2 semaphore(%dma_wait3A_509 : memref<!tpu.dma_semaphore, #tpu.memory_space<semaphore_mem>>) src(%dma_wait3A_517 : memref<128x64xf32, #tpu.memory_space<vmem>>) dst(%dma_wait3A_513 : memref<128x64xf32, #tpu.memory_space<hbm>>)
    %dma_wait3A_518 = arith.constant 5 : i32
    %dma_wait3A_519 = arith.constant 221 : i32
    %dma_wait3A_520 = arith.constant 5 : i32
    %dma_wait3A_521 = arith.constant 0 : i32
    %dma_wait3A_522 = arith.constant 0 : i32
    %dma_wait3A_523 = tpu.memref_slice %arg6[%dma_wait3A_518, %dma_wait3A_521, %dma_wait3A_522] : memref<8x128x64xf32, #tpu.memory_space<vmem>> -> memref<1x128x64xf32, #tpu.memory_space<vmem>>
    %dma_wait3A_524 = tpu.memref_squeeze %dma_wait3A_523 : memref<1x128x64xf32, #tpu.memory_space<vmem>> -> memref<128x64xf32, #tpu.memory_space<vmem>>
    %dma_wait3A_525 = arith.constant 0 : i32
    %dma_wait3A_526 = arith.constant 0 : i32
    %dma_wait3A_527 = tpu.memref_slice %arg4[%add3A, %dma_wait3A_519, %dma_wait3A_525, %dma_wait3A_526] : memref<32x224x128x128xf32, #tpu.memory_space<hbm>> -> memref<1x1x128x64xf32, #tpu.memory_space<hbm>>
    %dma_wait3A_528 = tpu.memref_squeeze %dma_wait3A_527 : memref<1x1x128x64xf32, #tpu.memory_space<hbm>> -> memref<128x64xf32, #tpu.memory_space<hbm>>
    %dma_wait3A_529 = tpu.memref_slice %arg8[%dma_wait3A_520] : memref<8x!tpu.dma_semaphore, #tpu.memory_space<semaphore_mem>> -> memref<1x!tpu.dma_semaphore, #tpu.memory_space<semaphore_mem>>
    %dma_wait3A_530 = tpu.memref_squeeze %dma_wait3A_529 : memref<1x!tpu.dma_semaphore, #tpu.memory_space<semaphore_mem>> -> memref<!tpu.dma_semaphore, #tpu.memory_space<semaphore_mem>>
    %dma_wait3A_531 = arith.constant 0 : i32
    %dma_wait3A_532 = arith.constant 0 : i32
    %dma_wait3A_533 = tpu.memref_slice %arg4[%add3A, %dma_wait3A_519, %dma_wait3A_531, %dma_wait3A_532] : memref<32x224x128x128xf32, #tpu.memory_space<hbm>> -> memref<1x1x128x64xf32, #tpu.memory_space<hbm>>
    %dma_wait3A_534 = tpu.memref_squeeze %dma_wait3A_533 : memref<1x1x128x64xf32, #tpu.memory_space<hbm>> -> memref<128x64xf32, #tpu.memory_space<hbm>>
    %dma_wait3A_535 = arith.constant 0 : i32
    %dma_wait3A_536 = arith.constant 0 : i32
    %dma_wait3A_537 = tpu.memref_slice %arg6[%dma_wait3A_518, %dma_wait3A_535, %dma_wait3A_536] : memref<8x128x64xf32, #tpu.memory_space<vmem>> -> memref<1x128x64xf32, #tpu.memory_space<vmem>>
    %dma_wait3A_538 = tpu.memref_squeeze %dma_wait3A_537 : memref<1x128x64xf32, #tpu.memory_space<vmem>> -> memref<128x64xf32, #tpu.memory_space<vmem>>
    tpu.wait_dma2 semaphore(%dma_wait3A_530 : memref<!tpu.dma_semaphore, #tpu.memory_space<semaphore_mem>>) src(%dma_wait3A_538 : memref<128x64xf32, #tpu.memory_space<vmem>>) dst(%dma_wait3A_534 : memref<128x64xf32, #tpu.memory_space<hbm>>)
    %dma_wait3A_539 = arith.constant 6 : i32
    %dma_wait3A_540 = arith.constant 222 : i32
    %dma_wait3A_541 = arith.constant 6 : i32
    %dma_wait3A_542 = arith.constant 0 : i32
    %dma_wait3A_543 = arith.constant 0 : i32
    %dma_wait3A_544 = tpu.memref_slice %arg6[%dma_wait3A_539, %dma_wait3A_542, %dma_wait3A_543] : memref<8x128x64xf32, #tpu.memory_space<vmem>> -> memref<1x128x64xf32, #tpu.memory_space<vmem>>
    %dma_wait3A_545 = tpu.memref_squeeze %dma_wait3A_544 : memref<1x128x64xf32, #tpu.memory_space<vmem>> -> memref<128x64xf32, #tpu.memory_space<vmem>>
    %dma_wait3A_546 = arith.constant 0 : i32
    %dma_wait3A_547 = arith.constant 0 : i32
    %dma_wait3A_548 = tpu.memref_slice %arg4[%add3A, %dma_wait3A_540, %dma_wait3A_546, %dma_wait3A_547] : memref<32x224x128x128xf32, #tpu.memory_space<hbm>> -> memref<1x1x128x64xf32, #tpu.memory_space<hbm>>
    %dma_wait3A_549 = tpu.memref_squeeze %dma_wait3A_548 : memref<1x1x128x64xf32, #tpu.memory_space<hbm>> -> memref<128x64xf32, #tpu.memory_space<hbm>>
    %dma_wait3A_550 = tpu.memref_slice %arg8[%dma_wait3A_541] : memref<8x!tpu.dma_semaphore, #tpu.memory_space<semaphore_mem>> -> memref<1x!tpu.dma_semaphore, #tpu.memory_space<semaphore_mem>>
    %dma_wait3A_551 = tpu.memref_squeeze %dma_wait3A_550 : memref<1x!tpu.dma_semaphore, #tpu.memory_space<semaphore_mem>> -> memref<!tpu.dma_semaphore, #tpu.memory_space<semaphore_mem>>
    %dma_wait3A_552 = arith.constant 0 : i32
    %dma_wait3A_553 = arith.constant 0 : i32
    %dma_wait3A_554 = tpu.memref_slice %arg4[%add3A, %dma_wait3A_540, %dma_wait3A_552, %dma_wait3A_553] : memref<32x224x128x128xf32, #tpu.memory_space<hbm>> -> memref<1x1x128x64xf32, #tpu.memory_space<hbm>>
    %dma_wait3A_555 = tpu.memref_squeeze %dma_wait3A_554 : memref<1x1x128x64xf32, #tpu.memory_space<hbm>> -> memref<128x64xf32, #tpu.memory_space<hbm>>
    %dma_wait3A_556 = arith.constant 0 : i32
    %dma_wait3A_557 = arith.constant 0 : i32
    %dma_wait3A_558 = tpu.memref_slice %arg6[%dma_wait3A_539, %dma_wait3A_556, %dma_wait3A_557] : memref<8x128x64xf32, #tpu.memory_space<vmem>> -> memref<1x128x64xf32, #tpu.memory_space<vmem>>
    %dma_wait3A_559 = tpu.memref_squeeze %dma_wait3A_558 : memref<1x128x64xf32, #tpu.memory_space<vmem>> -> memref<128x64xf32, #tpu.memory_space<vmem>>
    tpu.wait_dma2 semaphore(%dma_wait3A_551 : memref<!tpu.dma_semaphore, #tpu.memory_space<semaphore_mem>>) src(%dma_wait3A_559 : memref<128x64xf32, #tpu.memory_space<vmem>>) dst(%dma_wait3A_555 : memref<128x64xf32, #tpu.memory_space<hbm>>)
    %dma_wait3A_560 = arith.constant 7 : i32
    %dma_wait3A_561 = arith.constant 223 : i32
    %dma_wait3A_562 = arith.constant 7 : i32
    %dma_wait3A_563 = arith.constant 0 : i32
    %dma_wait3A_564 = arith.constant 0 : i32
    %dma_wait3A_565 = tpu.memref_slice %arg6[%dma_wait3A_560, %dma_wait3A_563, %dma_wait3A_564] : memref<8x128x64xf32, #tpu.memory_space<vmem>> -> memref<1x128x64xf32, #tpu.memory_space<vmem>>
    %dma_wait3A_566 = tpu.memref_squeeze %dma_wait3A_565 : memref<1x128x64xf32, #tpu.memory_space<vmem>> -> memref<128x64xf32, #tpu.memory_space<vmem>>
    %dma_wait3A_567 = arith.constant 0 : i32
    %dma_wait3A_568 = arith.constant 0 : i32
    %dma_wait3A_569 = tpu.memref_slice %arg4[%add3A, %dma_wait3A_561, %dma_wait3A_567, %dma_wait3A_568] : memref<32x224x128x128xf32, #tpu.memory_space<hbm>> -> memref<1x1x128x64xf32, #tpu.memory_space<hbm>>
    %dma_wait3A_570 = tpu.memref_squeeze %dma_wait3A_569 : memref<1x1x128x64xf32, #tpu.memory_space<hbm>> -> memref<128x64xf32, #tpu.memory_space<hbm>>
    %dma_wait3A_571 = tpu.memref_slice %arg8[%dma_wait3A_562] : memref<8x!tpu.dma_semaphore, #tpu.memory_space<semaphore_mem>> -> memref<1x!tpu.dma_semaphore, #tpu.memory_space<semaphore_mem>>
    %dma_wait3A_572 = tpu.memref_squeeze %dma_wait3A_571 : memref<1x!tpu.dma_semaphore, #tpu.memory_space<semaphore_mem>> -> memref<!tpu.dma_semaphore, #tpu.memory_space<semaphore_mem>>
    %dma_wait3A_573 = arith.constant 0 : i32
    %dma_wait3A_574 = arith.constant 0 : i32
    %dma_wait3A_575 = tpu.memref_slice %arg4[%add3A, %dma_wait3A_561, %dma_wait3A_573, %dma_wait3A_574] : memref<32x224x128x128xf32, #tpu.memory_space<hbm>> -> memref<1x1x128x64xf32, #tpu.memory_space<hbm>>
    %dma_wait3A_576 = tpu.memref_squeeze %dma_wait3A_575 : memref<1x1x128x64xf32, #tpu.memory_space<hbm>> -> memref<128x64xf32, #tpu.memory_space<hbm>>
    %dma_wait3A_577 = arith.constant 0 : i32
    %dma_wait3A_578 = arith.constant 0 : i32
    %dma_wait3A_579 = tpu.memref_slice %arg6[%dma_wait3A_560, %dma_wait3A_577, %dma_wait3A_578] : memref<8x128x64xf32, #tpu.memory_space<vmem>> -> memref<1x128x64xf32, #tpu.memory_space<vmem>>
    %dma_wait3A_580 = tpu.memref_squeeze %dma_wait3A_579 : memref<1x128x64xf32, #tpu.memory_space<vmem>> -> memref<128x64xf32, #tpu.memory_space<vmem>>
    tpu.wait_dma2 semaphore(%dma_wait3A_572 : memref<!tpu.dma_semaphore, #tpu.memory_space<semaphore_mem>>) src(%dma_wait3A_580 : memref<128x64xf32, #tpu.memory_space<vmem>>) dst(%dma_wait3A_576 : memref<128x64xf32, #tpu.memory_space<hbm>>)
    return
  }
}

</mosaic_0001>

<sc_bundles>
// kernel: kernel.3.cloned.1.call-start
scs
__scs_entry_jumppad:
0x0: {  	(pc) =	sbr.rel $0x88, $3  }
0x1: {  	(tag) =	ssettag $0x0;
	lr =	simm.s32 $0x1  }
0x2: {  	[smem:$0x3F9F] =	sst lr;
	_ =	strace $0xD0000000  }
0x3: {  	_ = 	snop  }
0x4: {  	_ = 	snop  }
0x5: {  	_ = 	snop  }
0x6: {  	_ = 	snop  }
0x7: {  	_ = 	snop  }
__scs_overlays_trampoline_lowered:
0x8: {  	[smem:$0x3FAE] =	sst s0  }
0x9: {  	[smem:$0x3FAF] =	sst s1  }
0xa: {  	[smem:$0x3FB0] =	sst s2  }
0xb: {  	[smem:$0x3FB1] =	sst s3  }
0xc: {  	[smem:$0x3FB2] =	sst s4  }
0xd: {  	[smem:$0x3FB3] =	sst s5  }
0xe: {  	[smem:$0x3FB4] =	sst s6  }
0xf: {  	[smem:$0x3FB5] =	sst s7  }
0x10: {  	[smem:$0x3FB6] =	sst s8  }
0x11: {  	[smem:$0x3FB7] =	sst s9;
	s0 =	simm.s32 @!p0 $0x0  }
0x12: {  	s1 =	sld [smem:$0x3F9D];
	s0 =	simm.s32 @p0 $0x1  }
0x13: {  	[smem:$0x3FB8] =	sst s0;
	s0 =	simm.s32 @!p1 $0x0  }
0x14: {  	s2 =	sld [smem:$0x3F9C];
	s0 =	simm.s32 @p1 $0x1  }
0x15: {  	[smem:$0x3FB9] =	sst s0;
	s0 =	simm.s32 @!p2 $0x0  }
0x16: {  	s3 =	sld [smem:$0x3FDB];
	s0 =	simm.s32 @p2 $0x1  }
0x17: {  	s4 =	simm.s32 $0x1BF5;
	[smem:$0x3FBB] =	sst s0  }
0x18: {  	s0 =	sld [smem:$0x3F9E];
	_ =	swait.ge [sflag:s4], $0x0  }
0x19: {  	s7 =	sld [smem:$0x3F9F]  }
0x1a: {  	s8 =	sadd.s32 $0xFFFFE003, lr  }
0x1b: {  	s9 =	sadd.s32 $0xFFFFFEF7, lr;
	s5 =	simm.s32 $0xFFFFFFFF;
	p2 =	slt.u32 s8, $0xFFFFF086  }
0x1c: {  	p1 =	slt.u32 s9, $0xF7A;
	s5 =	simm.s32 @!p2 $0x0  }
0x1d: {  	s5 =	simm.s32 @p1 $0x1;
	p0 =	seq.s32 s7, s2  }
0x1e: {  	s7 =	smul.u32 @!p0 $0xF7A, s2;
	p2 =	seq.s32 @!p0 s5, $0x0  }
0x1f: {  	s9 =	smul.u32 $0xF7A, s1;
	s8 =	simm.s32 @!p0 $0x1BF5;
	p2 =	por !p2, p0  }
0x20: {  	[sflag:s8] =	ssyncset.s32 @!p0 $0xFFFFF086;
	s6 =	sadd.s32 @!p0 s3, s7;
	s7 =	simm.s32 @!p0 $0x108  }
0x21: {  	s3 =	sadd.s32 s3, s9;
	s6 =	sadd.s32 @!p0 $0x88, s6;
	s7 =	simm.s32 @p2 $0x1082  }
0x22: {  	[simem:s7], [sflag:s8] =	dma.local @!p0 [hbm:s6], $0xF7A  }
0x23: {  	s9 =	sor.u32 $0xD0000000, s2;
	s6 =	simm.s32 $0x108;
	_ =	swait.ge @!p0 [sflag:s8], $0x0  }
0x24: {  	s3 =	sadd.s32 $0x88, s3;
	s6 =	simm.s32 @!p1 $0x1082;
	[sflag:s4] =	ssyncset.s32 $0xFFFFF086  }
0x25: {  	[simem:s6], [sflag:s4] =	dma.local [hbm:s3], $0xF7A  }
0x26: {  	[smem:$0x3F9F] =	sst s1;
	(tag) =	ssettag s2;
	_ =	strace s9  }
0x27: {  	s1 =	sld [smem:$0x3FAF]  }
0x28: {  	s2 =	sld [smem:$0x3FB0]  }
0x29: {  	s4 =	sld [smem:$0x3FB2]  }
0x2a: {  	p0 =	seq.s32 s5, $0x0;
	s5 =	sld [smem:$0x3FB3]  }
0x2b: {  	s6 =	sld [smem:$0x3FB4]  }
0x2c: {  	s7 =	sld [smem:$0x3FB5]  }
0x2d: {  	s3 =	simm.s32 $0x108;
	s8 =	sld [smem:$0x3FB6]  }
0x2e: {  	s3 =	simm.s32 @!p0 $0x1082;
	s9 =	sld [smem:$0x3FB7]  }
0x2f: {  	lr =	sadd.s32 s0, s3;
	s0 =	sld [smem:$0x3FAE]  }
0x30: {  	s3 =	sld [smem:$0x3FB1]  }
0x31: {  	[smem:$0x3FBA] =	sst s10  }
0x32: {  	s10 =	sld [smem:$0x3FB8];
	_ =	sdelay $0x3  }
0x33: {  	p0 =	seq.s32 s10, $0x1;
	s10 =	sld [smem:$0x3FBA];
	_ =	sdelay $0x3  }
0x34: {  	[smem:$0x3FBA] =	sst s10  }
0x35: {  	s10 =	sld [smem:$0x3FB9];
	_ =	sdelay $0x3  }
0x36: {  	p1 =	seq.s32 s10, $0x1;
	s10 =	sld [smem:$0x3FBA];
	_ =	sdelay $0x3  }
0x37: {  	[smem:$0x3FBA] =	sst s10  }
0x38: {  	s10 =	sld [smem:$0x3FBB]  }
0x39: {  	_ = 	snop;
	(pc) =	sbr.ind lr, $3  }
0x3a: {  	_ = 	snop  }
0x3b: {  	_ = 	snop  }
0x3c: {  	p2 =	seq.s32 s10, $0x1;
	s10 =	sld [smem:$0x3FBA]  }
0x3d: {  	_ =	shalt  }
0x3e: {  	_ =	shalt  }
0x3f: {  	_ =	shalt  }
0x40: {  	_ =	shalt  }
0x41: {  	_ =	shalt  }
0x42: {  	_ =	shalt  }
0x43: {  	_ =	shalt  }
0x44: {  	_ =	shalt  }
0x45: {  	_ =	shalt  }
0x46: {  	_ =	shalt  }
0x47: {  	_ =	shalt  }
0x48: {  	_ =	shalt  }
0x49: {  	_ =	shalt  }
0x4a: {  	_ =	shalt  }
0x4b: {  	_ =	shalt  }
0x4c: {  	_ =	shalt  }
0x4d: {  	_ =	shalt  }
0x4e: {  	_ =	shalt  }
0x4f: {  	_ =	shalt  }
0x50: {  	_ =	shalt  }
0x51: {  	_ =	shalt  }
0x52: {  	_ =	shalt  }
0x53: {  	_ =	shalt  }
0x54: {  	_ =	shalt  }
0x55: {  	_ =	shalt  }
0x56: {  	_ =	shalt  }
0x57: {  	_ =	shalt  }
0x58: {  	_ =	shalt  }
0x59: {  	_ =	shalt  }
0x5a: {  	_ =	shalt  }
0x5b: {  	_ =	shalt  }
0x5c: {  	_ =	shalt  }
0x5d: {  	_ =	shalt  }
0x5e: {  	_ =	shalt  }
0x5f: {  	_ =	shalt  }
0x60: {  	_ =	shalt  }
0x61: {  	_ =	shalt  }
0x62: {  	_ =	shalt  }
0x63: {  	_ =	shalt  }
0x64: {  	_ =	shalt  }
0x65: {  	_ =	shalt  }
0x66: {  	_ =	shalt  }
0x67: {  	_ =	shalt  }
0x68: {  	_ =	shalt  }
0x69: {  	_ =	shalt  }
0x6a: {  	_ =	shalt  }
0x6b: {  	_ =	shalt  }
0x6c: {  	_ =	shalt  }
0x6d: {  	_ =	shalt  }
0x6e: {  	_ =	shalt  }
0x6f: {  	_ =	shalt  }
0x70: {  	_ =	shalt  }
0x71: {  	_ =	shalt  }
0x72: {  	_ =	shalt  }
0x73: {  	_ =	shalt  }
0x74: {  	_ =	shalt  }
0x75: {  	_ =	shalt  }
0x76: {  	_ =	shalt  }
0x77: {  	_ =	shalt  }
0x78: {  	_ =	shalt  }
0x79: {  	_ =	shalt  }
0x7a: {  	_ =	shalt  }
0x7b: {  	_ =	shalt  }
0x7c: {  	_ =	shalt  }
0x7d: {  	_ =	shalt  }
0x7e: {  	_ =	shalt  }
0x7f: {  	_ =	shalt  }
0x80: {  	_ =	shalt  }
0x81: {  	_ =	shalt  }
0x82: {  	_ =	shalt  }
0x83: {  	_ =	shalt  }
0x84: {  	_ =	shalt  }
0x85: {  	_ =	shalt  }
0x86: {  	_ =	shalt  }
0x87: {  	_ =	shalt  }
.Lfunc_end0:
.L_simem_size_0:
called_computation.1_lowered:
.L_overlay_start_0:
0x88: {  	s2 =	sld [smem:$0x3FD9]  }
0x89: {  	s3 =	sld [smem:$0x3FFE];
	_ =	sdelay $0x1  }
0x8a: {  	s1 =	srdreg.scid  }
0x8b: {  	s0 =	sand.u32 $0x1, s1  }
0x8c: {  	s17 =	sshll.u32 s0, $0xA;
	s2 =	sadd.s32 s3, s2  }
0x8d: {  	s2 =	sadd.s32 s2, s17  }
0x8e: {  	[smem:$0x3FC6] =	sst s2  }
0x8f: {  	_ = 	snop  }
0x90: {  	s2 =	sld [smem:$0x3FD0];
	(tm) =	ssettm $0x1  }
0x91: {  	s18 =	sld [smem:$0x3FFB];
	_ =	sdelay $0x3  }
0x92: {  	_ =	strace s18  }
0x93: {  	s3 =	sld [smem:$0x3FFC];
	_ =	sdelay $0x3  }
0x94: {  	_ =	strace s3  }
0x95: {  	s3 =	sld [smem:$0x3FFD];
	_ =	sdelay $0x3  }
0x96: {  	_ =	strace s3  }
0x97: {  	_ =	strace $0x8FFFFFFF  }
0x98: {  	s19 =	sld [smem:$0x3FDB];
	_ =	sdelay $0x1  }
0x99: {  	s4 =	simm.s32 $_scs_section_size  }
0x9a: {  	s5 =	simm.s32 $_size__tile_overlayer_lowered;
	s6 =	simm.s32 $_tile_overlayer_lowered  }
0x9b: {  	s22 =	simm.s32 $0x1BFF;
	s21 =	sshll.u32 s6, $0x1;
	s3 =	sadd.s32 s4, s19  }
0x9c: {  	s7 =	simm.s32 $0x0;
	s20 =	sshll.u32 s5, $0x1;
	s5 =	sadd.s32 s21, s3  }
0x9d: {  	[timem:s7], [sflag:s22] =	dma.local [hbm:s5], s20  }
0x9e: {  	_ =	swait.ge [sflag:s22], s20  }
0x9f: {  	s4 =	ssub.s32 $0x0, s20;
	[sflag:s22] =	ssyncset.done $0x0  }
0xa0: {  	[sflag:s22] =	ssyncadd.s32 s4;
	_ =	sdelay $0x1  }
0xa1: {  	s23 =	simm.s32 $0x1B8B  }
0xa2: {  	_ =	swait.ge [sflag:s23], $0x1  }
0xa3: {  	[sflag:s23] =	ssyncset.done $0x0  }
0xa4: {  	s25 =	simm.s32 $0x1B8E;
	s24 =	sld [smem:$0x3FFE];
	[sflag:s23] =	ssyncadd.s32 $0xFFFFFFFF  }
0xa5: {  	s26 =	simm.s32 $execute0_lowered;
	[smem:$0x3FD2] =	sst s25  }
0xa6: {  	s5 =	sshll.u32 s26, $0x1;
	_ =	strace $0x80000046;
	[dreg:$0x1] =	wrdreg $0xFFFFFFFF  }
0xa7: {  	s28 =	simm.s32 $_size_execute0_lowered;
	s3 =	sadd.s32 s3, s5;
	[dreg:$0x0] =	wrdreg $0x0  }
0xa8: {  	s5 =	sshll.u32 s28, $0x1;
	[dreg:$0x2] =	wrdreg s3  }
0xa9: {  	[dreg:$0x3] =	wrdreg s5  }
0xaa: {  	[dreg:$0x4] =	wrdreg $0xC0  }
0xab: {  	_ =	task [dreg:s7], $0x5FFFF  }
0xac: {  	[dreg:$0x1] =	wrdreg $0xFFFFFFFF  }
0xad: {  	[dreg:$0x0] =	wrdreg $0x60  }
0xae: {  	[dreg:$0x2] =	wrdreg s2  }
0xaf: {  	[dreg:$0x3] =	wrdreg s24  }
0xb0: {  	[dreg:$0x4] =	wrdreg $0x9  }
0xb1: {  	_ =	task.clear_ibuf [dreg:s7], $0x5FFFF;
	_ =	strace $0x90000046  }
0xb2: {  	s29 =	simm.s32 $0x9;
	_ =	strace $0x80000048  }
0xb3: {  	_ =	swait.ge [sflag:s29], $0x1  }
0xb4: {  	[sflag:s29] =	ssyncadd.s32 $0xFFFFFFFF  }
0xb5: {  	_ =	strace $0x90000048  }
0xb6: {  	_ =	sfence  }
0xb7: {  	s30 =	sld [smem:$0x0];
	_ =	sdelay $0x2  }
0xb8: {  	s31 =	sshll.u32 s1, $0xD;
	s1 =	sshrl.u32 s1, $0x2  }
0xb9: {  	s3 =	sand.u32 $0x4000, s31;
	s1 =	sadd.s32 s1, s30  }
0xba: {  	s0 =	sor.u32 s3, s0;
	s1 =	sshll.u32 s1, $0x11  }
0xbb: {  	s0 =	sor.u32 s1, s0  }
0xbc: {  	s0 =	sadd.s32 $0x8F2B, s0  }
0xbd: {  	[sflag:s0] =	ssyncadd.remote.s32 $0x1  }
0xbe: {  	_ =	sfence.sel $0xFFFF  }
0xbf: {  	[dreg:$0x0] =	wrdreg $0xFFFFFFFF;
	(pc) =	sbr.abs _section_cstart, $3  }
0xc0: {  	[dreg:$0x1] =	wrdreg $0xFFFFFFFF  }
0xc1: {  	_ =	task.clear_ibuf [dreg:s7], $0x2FFFF;
	_ =	strace $0x9FFFFFFF  }
0xc2: {  	(tm) =	ssettm $0x7FFFFFFF  }
0xc3: {  	_ =	shalt  }
tec
execute0_lowered:
.L_overlay_start_1:
0x0: {  	(tag) =	ssettag $0x1  }
0x1: {  	s0 =	rddreg [dreg:$0x0]  }
0x2: {  	s1 =	rddreg [dreg:$0x1];
	s2 =	srdreg.scid  }
0x3: {  	s4 =	stileid.u32;
	s5 =	simm.s32 $0x0;
	s29 =	simm.s32 $0x13000  }
0x4: {  	s31 =	simm.s32 $0x15000;
	s28 =	simm.s32 $0x6;
	s30 =	simm.s32 $0x7  }
0x5: {  	s2 =	sand.u32 $0x1, s2;
	s3 =	sshll.u32 s4, $0x1;
	[smem:$0x7FF] =	sst s5  }
0x6: {  	s9 =	sadd.s32 $0xE00, s1;
	s7 =	smul.u32 $0x700000, s4;
	s23 =	sor.u32 s2, s3  }
0x7: {  	_ =	strace $0x80000047;
	s25 =	ssub.s32 $0x2, s2;
	s2 =	smul.u32 $0x380000, s2  }
0x8: {  	s3 =	sadd.s32 $0xF43200, s1;
	s6 =	smul.u32 $0x380000, s23;
	s8 =	sshrl.u32 s25, $0x1  }
0x9: {  	[dreg:$0xb] =	wrdreg s9;
	s24 =	smul.u32 $0xE00, s23;
	s5 =	ssub.s32 s25, s8  }
0xa: {  	s7 =	sadd.s32 s2, s7;
	s2 =	simm.s32 $0x8;
	s6 =	sshrl.u32 s6, $0x3  }
0xb: {  	s0 =	sadd.s32 s0, s24;
	s10 =	sor.u32 $0x1C000, s7;
	s12 =	sor.u32 $0x18000, s7  }
0xc: {  	s14 =	sor.u32 $0x14000, s7;
	s16 =	sor.u32 $0x10000, s7;
	s18 =	sor.u32 $0xC000, s7  }
0xd: {  	s20 =	sor.u32 $0x8000, s7;
	[dreg:$0xc] =	wrdreg s0;
	s13 =	sshrl.u32 s12, $0x3  }
0xe: {  	s22 =	sor.u32 $0x4000, s7;
	s15 =	sshrl.u32 s14, $0x3;
	[dreg:$0x4] =	wrdreg s13  }
0xf: {  	s6 =	sadd.s32 s9, s6;
	s17 =	sshrl.u32 s16, $0x3;
	[dreg:$0x5] =	wrdreg s15  }
0x10: {  	s19 =	sshrl.u32 s18, $0x3;
	s21 =	sshrl.u32 s20, $0x3;
	[dreg:$0x6] =	wrdreg s17  }
0x11: {  	s24 =	sshrl.u32 s22, $0x3;
	s0 =	sshrl.u32 s7, $0x3;
	[dreg:$0x7] =	wrdreg s19  }
0x12: {  	s16 =	simm.s32 $0x80;
	s18 =	simm.s32 $0x9000;
	[dreg:$0x8] =	wrdreg s21  }
0x13: {  	s20 =	simm.s32 $0xB000;
	s22 =	simm.s32 $0xD000;
	[dreg:$0x9] =	wrdreg s24  }
0x14: {  	s7 =	simm.s32 $0xB;
	s26 =	sadd.s32 $0x6C000, s6;
	[dreg:$0xa] =	wrdreg s0  }
0x15: {  	s12 =	simm.s32 $0x10;
	s1 =	sadd.s32 $0x6C800, s6;
	[dreg:$0xd] =	wrdreg s26  }
0x16: {  	s4 =	sadd.s32 $0x6D000, s6;
	s8 =	sadd.s32 $0x6D800, s6;
	[dreg:$0xe] =	wrdreg s1  }
0x17: {  	s9 =	sadd.s32 $0x6E000, s6;
	s11 =	sadd.s32 $0x6E800, s6;
	[dreg:$0xf] =	wrdreg s4  }
0x18: {  	s23 =	sadd.s32 $0x6F000, s6;
	s25 =	sadd.s32 $0x6F800, s6;
	[dreg:$0x10] =	wrdreg s8  }
0x19: {  	s17 =	simm.s32 $0x7000;
	s24 =	simm.s32 $0xF000;
	[dreg:$0x11] =	wrdreg s9  }
0x1a: {  	s0 =	simm.s32 $0x1;
	s19 =	simm.s32 $0x2;
	[dreg:$0x12] =	wrdreg s11  }
0x1b: {  	s21 =	simm.s32 $0x3;
	s6 =	simm.s32 $0xA;
	[dreg:$0x13] =	wrdreg s23  }
0x1c: {  	s13 =	simm.s32 $0x0;
	s1 =	sshrl.u32 s10, $0x3;
	[dreg:$0x14] =	wrdreg s25  }
0x1d: {  	s26 =	smax.u32 s5, $0x1;
	s23 =	simm.s32 $0x4;
	s25 =	simm.s32 $0x5  }
0x1e: {  	s5 =	simm.s32 $0x9;
	s8 =	simm.s32 $0xC;
	s9 =	simm.s32 $0xD  }
0x1f: {  	s10 =	simm.s32 $0xE;
	s11 =	simm.s32 $0xF;
	[dreg:$0x3] =	wrdreg s1  }
0x20: {  	[dreg:$0x15] =	wrdreg s26;
	s26 =	simm.s32 $0x11000;
	s1 =	simm.s32 $0x40  }
.LBB2_1:
0x21: {  	[dreg:$0x16] =	wrdreg s13  }
0x22: {  	s4 =	simm.s32 $0x0;
	s15 =	rddreg [dreg:$0xc];
	s14 =	simm.s32 $0x11  }
0x23: {  	[tilespmem:s4], [sflag:$0x11] =	stream.linear.gather [hbm4b:s15+s4], $0x7000, $0x38;
	[tilespmem:$0x17000] =	vst v63  }
0x24: {  	_ =	swait.ge [sflag:s14], $0x7000  }
0x25: {  	[sflag:s14] =	ssyncset.done $0x0  }
0x26: {  	[sflag:s14] =	ssyncadd.s32 $0xFFFF9000  }
0x27: {  	[tilespmem:s17], [sflag:$0x1] =	stream.indirect.gather [hbm4b:s3+s16], $0x40, s4, s16, $0xb8;
	[tilespmem:$0x17000] =	vst v63  }
0x28: {  	_ = 	snop  }
0x29: {  	[tilespmem:s18], [sflag:$0x2] =	stream.indirect.gather [hbm4b:s3+s16], $0x40, s16, s16, $0xb8;
	[tilespmem:$0x17000] =	vst v63  }
0x2a: {  	s15 =	simm.s32 $0x100  }
0x2b: {  	[tilespmem:s20], [sflag:$0x3] =	stream.indirect.gather [hbm4b:s3+s16], $0x40, s15, s16, $0xb8;
	[tilespmem:$0x17000] =	vst v63  }
0x2c: {  	s13 =	simm.s32 $0x180  }
0x2d: {  	[tilespmem:s22], [sflag:$0x4] =	stream.indirect.gather [hbm4b:s3+s16], $0x40, s13, s16, $0xb8;
	[tilespmem:$0x17000] =	vst v63  }
0x2e: {  	s14 =	simm.s32 $0x200  }
0x2f: {  	[tilespmem:s24], [sflag:$0x5] =	stream.indirect.gather [hbm4b:s3+s16], $0x40, s14, s16, $0xb8;
	[tilespmem:$0x17000] =	vst v63  }
0x30: {  	s15 =	simm.s32 $0x280  }
0x31: {  	[tilespmem:s26], [sflag:$0x6] =	stream.indirect.gather [hbm4b:s3+s16], $0x40, s15, s16, $0xb8;
	[tilespmem:$0x17000] =	vst v63  }
0x32: {  	s13 =	simm.s32 $0x300  }
0x33: {  	[tilespmem:s29], [sflag:$0x7] =	stream.indirect.gather [hbm4b:s3+s16], $0x40, s13, s16, $0xb8;
	[tilespmem:$0x17000] =	vst v63  }
0x34: {  	s14 =	simm.s32 $0x380  }
0x35: {  	[tilespmem:s31], [sflag:$0x8] =	stream.indirect.gather [hbm4b:s3+s16], $0x40, s14, s16, $0xb8;
	[tilespmem:$0x17000] =	vst v63  }
0x36: {  	_ =	swait.ge [sflag:s0], $0x2000  }
0x37: {  	s15 =	rddreg [dreg:$0xa]  }
0x38: {  	[sflag:s0] =	ssyncset.done $0x0;
	s4 =	rddreg [dreg:$0xb]  }
0x39: {  	[sflag:s0] =	ssyncadd.s32 $0xFFFFE000;
	s13 =	sadd.s32 s4, s15  }
0x3a: {  	[hbm4b:s13+s1] =	stream.strided.scatter [tilespmem:s17], [sflag:$0x9], $0x2000, s16, s1, $0x38;
	[tilespmem:$0x17000] =	vst v63  }
0x3b: {  	_ =	swait.ge [sflag:s19], $0x2000  }
0x3c: {  	s14 =	rddreg [dreg:$0x9];
	[sflag:s19] =	ssyncset.done $0x0  }
0x3d: {  	[sflag:s19] =	ssyncadd.s32 $0xFFFFE000;
	s13 =	sadd.s32 s4, s14  }
0x3e: {  	[hbm4b:s13+s1] =	stream.strided.scatter [tilespmem:s18], [sflag:$0xA], $0x2000, s16, s1, $0x38;
	[tilespmem:$0x17000] =	vst v63  }
0x3f: {  	_ =	swait.ge [sflag:s21], $0x2000  }
0x40: {  	s15 =	rddreg [dreg:$0x8];
	[sflag:s21] =	ssyncset.done $0x0  }
0x41: {  	[sflag:s21] =	ssyncadd.s32 $0xFFFFE000;
	s13 =	sadd.s32 s4, s15  }
0x42: {  	[hbm4b:s13+s1] =	stream.strided.scatter [tilespmem:s20], [sflag:$0xB], $0x2000, s16, s1, $0x38;
	[tilespmem:$0x17000] =	vst v63  }
0x43: {  	_ =	swait.ge [sflag:s23], $0x2000  }
0x44: {  	s14 =	rddreg [dreg:$0x7];
	[sflag:s23] =	ssyncset.done $0x0  }
0x45: {  	[sflag:s23] =	ssyncadd.s32 $0xFFFFE000;
	s13 =	sadd.s32 s4, s14  }
0x46: {  	[hbm4b:s13+s1] =	stream.strided.scatter [tilespmem:s22], [sflag:$0xC], $0x2000, s16, s1, $0x38;
	[tilespmem:$0x17000] =	vst v63  }
0x47: {  	_ =	swait.ge [sflag:s25], $0x2000  }
0x48: {  	s15 =	rddreg [dreg:$0x6];
	[sflag:s25] =	ssyncset.done $0x0  }
0x49: {  	[sflag:s25] =	ssyncadd.s32 $0xFFFFE000;
	s13 =	sadd.s32 s4, s15  }
0x4a: {  	[hbm4b:s13+s1] =	stream.strided.scatter [tilespmem:s24], [sflag:$0xD], $0x2000, s16, s1, $0x38;
	[tilespmem:$0x17000] =	vst v63  }
0x4b: {  	_ =	swait.ge [sflag:s28], $0x2000  }
0x4c: {  	s14 =	rddreg [dreg:$0x5];
	[sflag:s28] =	ssyncset.done $0x0  }
0x4d: {  	[sflag:s28] =	ssyncadd.s32 $0xFFFFE000;
	s13 =	sadd.s32 s4, s14  }
0x4e: {  	[hbm4b:s13+s1] =	stream.strided.scatter [tilespmem:s26], [sflag:$0xE], $0x2000, s16, s1, $0x38;
	[tilespmem:$0x17000] =	vst v63  }
0x4f: {  	_ =	swait.ge [sflag:s30], $0x2000  }
0x50: {  	s15 =	rddreg [dreg:$0x4];
	[sflag:s30] =	ssyncset.done $0x0  }
0x51: {  	[sflag:s30] =	ssyncadd.s32 $0xFFFFE000;
	s13 =	sadd.s32 s4, s15  }
0x52: {  	[hbm4b:s13+s1] =	stream.strided.scatter [tilespmem:s29], [sflag:$0xF], $0x2000, s16, s1, $0x38;
	[tilespmem:$0x17000] =	vst v63  }
0x53: {  	_ =	swait.ge [sflag:s2], $0x2000  }
0x54: {  	s14 =	rddreg [dreg:$0x3];
	[sflag:s2] =	ssyncset.done $0x0  }
0x55: {  	[sflag:s2] =	ssyncadd.s32 $0xFFFFE000;
	s13 =	sadd.s32 s4, s14  }
0x56: {  	[hbm4b:s13+s1] =	stream.strided.scatter [tilespmem:s31], [sflag:$0x10], $0x2000, s16, s1, $0x38;
	[tilespmem:$0x17000] =	vst v63  }
0x57: {  	_ =	swait.ge [sflag:s5], $0x2000  }
0x58: {  	[sflag:s5] =	ssyncset.done $0x0  }
0x59: {  	s15 =	simm.s32 $0x400;
	[sflag:s5] =	ssyncadd.s32 $0xFFFFE000  }
0x5a: {  	[tilespmem:s17], [sflag:$0x1] =	stream.indirect.gather [hbm4b:s3+s16], $0x40, s15, s16, $0xb8;
	[tilespmem:$0x17000] =	vst v63  }
0x5b: {  	_ =	swait.ge [sflag:s6], $0x2000  }
0x5c: {  	[sflag:s6] =	ssyncset.done $0x0  }
0x5d: {  	s14 =	simm.s32 $0x480;
	[sflag:s6] =	ssyncadd.s32 $0xFFFFE000  }
0x5e: {  	[tilespmem:s18], [sflag:$0x2] =	stream.indirect.gather [hbm4b:s3+s16], $0x40, s14, s16, $0xb8;
	[tilespmem:$0x17000] =	vst v63  }
0x5f: {  	_ =	swait.ge [sflag:s7], $0x2000  }
0x60: {  	[sflag:s7] =	ssyncset.done $0x0  }
0x61: {  	s15 =	simm.s32 $0x500;
	[sflag:s7] =	ssyncadd.s32 $0xFFFFE000  }
0x62: {  	[tilespmem:s20], [sflag:$0x3] =	stream.indirect.gather [hbm4b:s3+s16], $0x40, s15, s16, $0xb8;
	[tilespmem:$0x17000] =	vst v63  }
0x63: {  	_ =	swait.ge [sflag:s8], $0x2000  }
0x64: {  	[sflag:s8] =	ssyncset.done $0x0  }
0x65: {  	s14 =	simm.s32 $0x580;
	[sflag:s8] =	ssyncadd.s32 $0xFFFFE000  }
0x66: {  	[tilespmem:s22], [sflag:$0x4] =	stream.indirect.gather [hbm4b:s3+s16], $0x40, s14, s16, $0xb8;
	[tilespmem:$0x17000] =	vst v63  }
0x67: {  	_ =	swait.ge [sflag:s9], $0x2000  }
0x68: {  	[sflag:s9] =	ssyncset.done $0x0  }
0x69: {  	s15 =	simm.s32 $0x600;
	[sflag:s9] =	ssyncadd.s32 $0xFFFFE000  }
0x6a: {  	[tilespmem:s24], [sflag:$0x5] =	stream.indirect.gather [hbm4b:s3+s16], $0x40, s15, s16, $0xb8;
	[tilespmem:$0x17000] =	vst v63  }
0x6b: {  	_ =	swait.ge [sflag:s10], $0x2000  }
0x6c: {  	[sflag:s10] =	ssyncset.done $0x0  }
0x6d: {  	s14 =	simm.s32 $0x680;
	[sflag:s10] =	ssyncadd.s32 $0xFFFFE000  }
0x6e: {  	[tilespmem:s26], [sflag:$0x6] =	stream.indirect.gather [hbm4b:s3+s16], $0x40, s14, s16, $0xb8;
	[tilespmem:$0x17000] =	vst v63  }
0x6f: {  	_ =	swait.ge [sflag:s11], $0x2000  }
0x70: {  	[sflag:s11] =	ssyncset.done $0x0  }
0x71: {  	s15 =	simm.s32 $0x700;
	[sflag:s11] =	ssyncadd.s32 $0xFFFFE000  }
0x72: {  	[tilespmem:s29], [sflag:$0x7] =	stream.indirect.gather [hbm4b:s3+s16], $0x40, s15, s16, $0xb8;
	[tilespmem:$0x17000] =	vst v63  }
0x73: {  	_ =	swait.ge [sflag:s12], $0x2000  }
0x74: {  	s13 =	simm.s32 $0x780;
	[sflag:s12] =	ssyncset.done $0x0  }
0x75: {  	s14 =	simm.s32 $0x1000;
	s15 =	sadd.s32 $0x4000, s4;
	[sflag:s12] =	ssyncadd.s32 $0xFFFFE000  }
.LBB2_2:
0x76: {  	[tilespmem:s31], [sflag:$0x8] =	stream.indirect.gather [hbm4b:s3+s16], $0x40, s13, s16, $0xb8;
	[tilespmem:$0x17000] =	vst v63  }
0x77: {  	_ =	swait.ge [sflag:s0], $0x2000  }
0x78: {  	s4 =	rddreg [dreg:$0xa];
	[sflag:s0] =	ssyncset.done $0x0  }
0x79: {  	[sflag:s0] =	ssyncadd.s32 $0xFFFFE000;
	s4 =	sadd.s32 s15, s4  }
0x7a: {  	[hbm4b:s4+s1] =	stream.strided.scatter [tilespmem:s17], [sflag:$0x9], $0x2000, s16, s1, $0x38;
	[tilespmem:$0x17000] =	vst v63  }
0x7b: {  	_ =	swait.ge [sflag:s19], $0x2000  }
0x7c: {  	s4 =	rddreg [dreg:$0x9];
	[sflag:s19] =	ssyncset.done $0x0  }
0x7d: {  	[sflag:s19] =	ssyncadd.s32 $0xFFFFE000;
	s4 =	sadd.s32 s15, s4  }
0x7e: {  	[hbm4b:s4+s1] =	stream.strided.scatter [tilespmem:s18], [sflag:$0xA], $0x2000, s16, s1, $0x38;
	[tilespmem:$0x17000] =	vst v63  }
0x7f: {  	_ =	swait.ge [sflag:s21], $0x2000  }
0x80: {  	s4 =	rddreg [dreg:$0x8];
	[sflag:s21] =	ssyncset.done $0x0  }
0x81: {  	[sflag:s21] =	ssyncadd.s32 $0xFFFFE000;
	s4 =	sadd.s32 s15, s4  }
0x82: {  	[hbm4b:s4+s1] =	stream.strided.scatter [tilespmem:s20], [sflag:$0xB], $0x2000, s16, s1, $0x38;
	[tilespmem:$0x17000] =	vst v63  }
0x83: {  	_ =	swait.ge [sflag:s23], $0x2000  }
0x84: {  	s4 =	rddreg [dreg:$0x7];
	[sflag:s23] =	ssyncset.done $0x0  }
0x85: {  	[sflag:s23] =	ssyncadd.s32 $0xFFFFE000;
	s4 =	sadd.s32 s15, s4  }
0x86: {  	[hbm4b:s4+s1] =	stream.strided.scatter [tilespmem:s22], [sflag:$0xC], $0x2000, s16, s1, $0x38;
	[tilespmem:$0x17000] =	vst v63  }
0x87: {  	_ =	swait.ge [sflag:s25], $0x2000  }
0x88: {  	s4 =	rddreg [dreg:$0x6];
	[sflag:s25] =	ssyncset.done $0x0  }
0x89: {  	[sflag:s25] =	ssyncadd.s32 $0xFFFFE000;
	s4 =	sadd.s32 s15, s4  }
0x8a: {  	[hbm4b:s4+s1] =	stream.strided.scatter [tilespmem:s24], [sflag:$0xD], $0x2000, s16, s1, $0x38;
	[tilespmem:$0x17000] =	vst v63  }
0x8b: {  	_ =	swait.ge [sflag:s28], $0x2000  }
0x8c: {  	s4 =	rddreg [dreg:$0x5];
	[sflag:s28] =	ssyncset.done $0x0  }
0x8d: {  	[sflag:s28] =	ssyncadd.s32 $0xFFFFE000;
	s4 =	sadd.s32 s15, s4  }
0x8e: {  	[hbm4b:s4+s1] =	stream.strided.scatter [tilespmem:s26], [sflag:$0xE], $0x2000, s16, s1, $0x38;
	[tilespmem:$0x17000] =	vst v63  }
0x8f: {  	_ =	swait.ge [sflag:s30], $0x2000  }
0x90: {  	s4 =	rddreg [dreg:$0x4];
	[sflag:s30] =	ssyncset.done $0x0  }
0x91: {  	[sflag:s30] =	ssyncadd.s32 $0xFFFFE000;
	s4 =	sadd.s32 s15, s4  }
0x92: {  	[hbm4b:s4+s1] =	stream.strided.scatter [tilespmem:s29], [sflag:$0xF], $0x2000, s16, s1, $0x38;
	[tilespmem:$0x17000] =	vst v63  }
0x93: {  	_ =	swait.ge [sflag:s2], $0x2000  }
0x94: {  	s4 =	rddreg [dreg:$0x3];
	[sflag:s2] =	ssyncset.done $0x0  }
0x95: {  	[sflag:s2] =	ssyncadd.s32 $0xFFFFE000;
	s4 =	sadd.s32 s15, s4  }
0x96: {  	[hbm4b:s4+s1] =	stream.strided.scatter [tilespmem:s31], [sflag:$0x10], $0x2000, s16, s1, $0x38;
	[tilespmem:$0x17000] =	vst v63  }
0x97: {  	s13 =	smov.u32 s14;
	_ =	swait.ge [sflag:s5], $0x2000  }
0x98: {  	s13 =	sshra.s32 s13, $0x2;
	[sflag:s5] =	ssyncset.done $0x0  }
0x99: {  	s4 =	sadd.s32 $0x400, s13;
	[sflag:s5] =	ssyncadd.s32 $0xFFFFE000  }
0x9a: {  	[tilespmem:s17], [sflag:$0x1] =	stream.indirect.gather [hbm4b:s3+s16], $0x40, s4, s16, $0xb8;
	[tilespmem:$0x17000] =	vst v63  }
0x9b: {  	_ =	swait.ge [sflag:s6], $0x2000  }
0x9c: {  	[sflag:s6] =	ssyncset.done $0x0  }
0x9d: {  	s4 =	sadd.s32 $0x480, s13;
	[sflag:s6] =	ssyncadd.s32 $0xFFFFE000  }
0x9e: {  	[tilespmem:s18], [sflag:$0x2] =	stream.indirect.gather [hbm4b:s3+s16], $0x40, s4, s16, $0xb8;
	[tilespmem:$0x17000] =	vst v63  }
0x9f: {  	_ =	swait.ge [sflag:s7], $0x2000  }
0xa0: {  	[sflag:s7] =	ssyncset.done $0x0  }
0xa1: {  	s4 =	sadd.s32 $0x500, s13;
	[sflag:s7] =	ssyncadd.s32 $0xFFFFE000  }
0xa2: {  	[tilespmem:s20], [sflag:$0x3] =	stream.indirect.gather [hbm4b:s3+s16], $0x40, s4, s16, $0xb8;
	[tilespmem:$0x17000] =	vst v63  }
0xa3: {  	_ =	swait.ge [sflag:s8], $0x2000  }
0xa4: {  	[sflag:s8] =	ssyncset.done $0x0  }
0xa5: {  	s4 =	sadd.s32 $0x580, s13;
	[sflag:s8] =	ssyncadd.s32 $0xFFFFE000  }
0xa6: {  	[tilespmem:s22], [sflag:$0x4] =	stream.indirect.gather [hbm4b:s3+s16], $0x40, s4, s16, $0xb8;
	[tilespmem:$0x17000] =	vst v63  }
0xa7: {  	_ =	swait.ge [sflag:s9], $0x2000  }
0xa8: {  	[sflag:s9] =	ssyncset.done $0x0  }
0xa9: {  	s4 =	sadd.s32 $0x600, s13;
	[sflag:s9] =	ssyncadd.s32 $0xFFFFE000  }
0xaa: {  	[tilespmem:s24], [sflag:$0x5] =	stream.indirect.gather [hbm4b:s3+s16], $0x40, s4, s16, $0xb8;
	[tilespmem:$0x17000] =	vst v63  }
0xab: {  	_ =	swait.ge [sflag:s10], $0x2000  }
0xac: {  	[sflag:s10] =	ssyncset.done $0x0  }
0xad: {  	s4 =	sadd.s32 $0x680, s13;
	[sflag:s10] =	ssyncadd.s32 $0xFFFFE000  }
0xae: {  	[tilespmem:s26], [sflag:$0x6] =	stream.indirect.gather [hbm4b:s3+s16], $0x40, s4, s16, $0xb8;
	[tilespmem:$0x17000] =	vst v63  }
0xaf: {  	_ =	swait.ge [sflag:s11], $0x2000  }
0xb0: {  	p0 =	sne.s32 s14, $0x1A000;
	[sflag:s11] =	ssyncset.done $0x0  }
.Ltmp0:
0xb1: {  	s4 =	sadd.s32 $0x700, s13;
	[sflag:s11] =	ssyncadd.s32 $0xFFFFE000;
	(pc) =	sbr.rel @p0 .LBB2_2-.Ltmp0, $4  }
0xb2: {  	[tilespmem:s29], [sflag:$0x7] =	stream.indirect.gather [hbm4b:s3+s16], $0x40, s4, s16, $0xb8;
	[tilespmem:$0x17000] =	vst v63  }
0xb3: {  	_ =	swait.ge [sflag:s12], $0x2000  }
0xb4: {  	s14 =	sadd.s32 $0x1000, s14;
	[sflag:s12] =	ssyncset.done $0x0  }
0xb5: {  	s15 =	sadd.s32 $0x4000, s15;
	s13 =	sadd.s32 $0x780, s13;
	[sflag:s12] =	ssyncadd.s32 $0xFFFFE000  }
0xb6: {  	[tilespmem:s31], [sflag:$0x8] =	stream.indirect.gather [hbm4b:s3+s16], $0x40, s13, s16, $0xb8;
	[tilespmem:$0x17000] =	vst v63  }
0xb7: {  	_ =	swait.ge [sflag:s0], $0x2000  }
0xb8: {  	[sflag:s0] =	ssyncset.done $0x0  }
0xb9: {  	s4 =	rddreg [dreg:$0xd];
	[sflag:s0] =	ssyncadd.s32 $0xFFFFE000  }
0xba: {  	[hbm4b:s4+s1] =	stream.strided.scatter [tilespmem:s17], [sflag:$0x9], $0x2000, s16, s1, $0x38;
	[tilespmem:$0x17000] =	vst v63  }
0xbb: {  	_ =	swait.ge [sflag:s19], $0x2000  }
0xbc: {  	[sflag:s19] =	ssyncset.done $0x0  }
0xbd: {  	s13 =	rddreg [dreg:$0xe];
	[sflag:s19] =	ssyncadd.s32 $0xFFFFE000  }
0xbe: {  	[hbm4b:s13+s1] =	stream.strided.scatter [tilespmem:s18], [sflag:$0xA], $0x2000, s16, s1, $0x38;
	[tilespmem:$0x17000] =	vst v63  }
0xbf: {  	_ =	swait.ge [sflag:s21], $0x2000  }
0xc0: {  	[sflag:s21] =	ssyncset.done $0x0  }
0xc1: {  	s14 =	rddreg [dreg:$0xf];
	[sflag:s21] =	ssyncadd.s32 $0xFFFFE000  }
0xc2: {  	[hbm4b:s14+s1] =	stream.strided.scatter [tilespmem:s20], [sflag:$0xB], $0x2000, s16, s1, $0x38;
	[tilespmem:$0x17000] =	vst v63  }
0xc3: {  	_ =	swait.ge [sflag:s23], $0x2000  }
0xc4: {  	[sflag:s23] =	ssyncset.done $0x0  }
0xc5: {  	s15 =	rddreg [dreg:$0x10];
	[sflag:s23] =	ssyncadd.s32 $0xFFFFE000  }
0xc6: {  	[hbm4b:s15+s1] =	stream.strided.scatter [tilespmem:s22], [sflag:$0xC], $0x2000, s16, s1, $0x38;
	[tilespmem:$0x17000] =	vst v63  }
0xc7: {  	_ =	swait.ge [sflag:s25], $0x2000  }
0xc8: {  	[sflag:s25] =	ssyncset.done $0x0  }
0xc9: {  	s13 =	rddreg [dreg:$0x11];
	[sflag:s25] =	ssyncadd.s32 $0xFFFFE000  }
0xca: {  	[hbm4b:s13+s1] =	stream.strided.scatter [tilespmem:s24], [sflag:$0xD], $0x2000, s16, s1, $0x38;
	[tilespmem:$0x17000] =	vst v63  }
0xcb: {  	_ =	swait.ge [sflag:s28], $0x2000  }
0xcc: {  	[sflag:s28] =	ssyncset.done $0x0  }
0xcd: {  	s14 =	rddreg [dreg:$0x12];
	[sflag:s28] =	ssyncadd.s32 $0xFFFFE000  }
0xce: {  	[hbm4b:s14+s1] =	stream.strided.scatter [tilespmem:s26], [sflag:$0xE], $0x2000, s16, s1, $0x38;
	[tilespmem:$0x17000] =	vst v63  }
0xcf: {  	_ =	swait.ge [sflag:s30], $0x2000  }
0xd0: {  	[sflag:s30] =	ssyncset.done $0x0  }
0xd1: {  	s15 =	rddreg [dreg:$0x13];
	[sflag:s30] =	ssyncadd.s32 $0xFFFFE000  }
0xd2: {  	[hbm4b:s15+s1] =	stream.strided.scatter [tilespmem:s29], [sflag:$0xF], $0x2000, s16, s1, $0x38;
	[tilespmem:$0x17000] =	vst v63  }
0xd3: {  	_ =	swait.ge [sflag:s2], $0x2000  }
0xd4: {  	[sflag:s2] =	ssyncset.done $0x0  }
0xd5: {  	s13 =	rddreg [dreg:$0x14];
	[sflag:s2] =	ssyncadd.s32 $0xFFFFE000  }
0xd6: {  	[hbm4b:s13+s1] =	stream.strided.scatter [tilespmem:s31], [sflag:$0x10], $0x2000, s16, s1, $0x38;
	[tilespmem:$0x17000] =	vst v63  }
0xd7: {  	_ =	swait.ge [sflag:s5], $0x2000  }
0xd8: {  	[sflag:s5] =	ssyncset.done $0x0  }
0xd9: {  	[sflag:s5] =	ssyncadd.s32 $0xFFFFE000  }
0xda: {  	_ =	swait.ge [sflag:s6], $0x2000  }
0xdb: {  	[sflag:s6] =	ssyncset.done $0x0  }
0xdc: {  	[sflag:s6] =	ssyncadd.s32 $0xFFFFE000  }
0xdd: {  	_ =	swait.ge [sflag:s7], $0x2000  }
0xde: {  	[sflag:s7] =	ssyncset.done $0x0  }
0xdf: {  	[sflag:s7] =	ssyncadd.s32 $0xFFFFE000  }
0xe0: {  	_ =	swait.ge [sflag:s8], $0x2000  }
0xe1: {  	[sflag:s8] =	ssyncset.done $0x0  }
0xe2: {  	[sflag:s8] =	ssyncadd.s32 $0xFFFFE000  }
0xe3: {  	_ =	swait.ge [sflag:s9], $0x2000  }
0xe4: {  	[sflag:s9] =	ssyncset.done $0x0  }
0xe5: {  	[sflag:s9] =	ssyncadd.s32 $0xFFFFE000  }
0xe6: {  	_ =	swait.ge [sflag:s10], $0x2000  }
0xe7: {  	[sflag:s10] =	ssyncset.done $0x0  }
0xe8: {  	[sflag:s10] =	ssyncadd.s32 $0xFFFFE000  }
0xe9: {  	_ =	swait.ge [sflag:s11], $0x2000  }
0xea: {  	[sflag:s11] =	ssyncset.done $0x0  }
0xeb: {  	[sflag:s11] =	ssyncadd.s32 $0xFFFFE000  }
0xec: {  	_ =	swait.ge [sflag:s12], $0x2000  }
0xed: {  	s14 =	rddreg [dreg:$0x16]  }
0xee: {  	s15 =	rddreg [dreg:$0x15];
	s13 =	sadd.s32 $0x1, s14  }
0xef: {  	p0 =	sne.s32 s13, s15  }
.Ltmp1:
0xf0: {  	_ = 	snop;
	(pc) =	sbr.rel @p0 .LBB2_1-.Ltmp1, $3  }
0xf1: {  	_ =	sdelay $0x1  }
0xf2: {  	[sflag:s12] =	ssyncset.done $0x0  }
0xf3: {  	[sflag:s12] =	ssyncadd.s32 $0xFFFFE000  }
0xf4: {  	_ =	sfence.sel $0x180000  }
0xf5: {  	[bflag:$0x0] =	sbarrier.arrive $0xFFFF  }
0xf6: {  	_ =	strace $0x90000047  }
0xf7: {  	s0 =	stileid.u32;
	[bflag:$0x2] =	sbarrier.arrive $0xFFFF  }
0xf8: {  	p0 =	sne.s32 s0, $0x0;
	s0 =	rddreg [dreg:$0x2]  }
0xf9: {  	s0 =	sadd.s32 @!p0 $0x100000, s0  }
0xfa: {  	[sflag:s0] =	ssyncadd.tile.s32 @!p0 $0x1;
	_ =	shalt  }
.Lfunc_end2:
_tile_overlayer_lowered:
.L_overlay_start_2:
0xfb: {  	(tag) =	ssettag $0x2  }
0xfc: {  	s0 =	rddreg [dreg:$0x0];
	s2 =	stileid.u32  }
0xfd: {  	s1 =	rddreg [dreg:$0x1];
	p0 =	sne.s32 s2, $0x0  }
0xfe: {  	s3 =	rddreg [dreg:$0x2];
	[bflag:$0x3] =	sbarrier.arrive $0xFFFF;
	s2 =	simm.s32 @!p0 $0x1C11  }
0xff: {  	[timem:s3], [sflag:s2] =	dma.local @!p0 [hbm:s0], s1  }
0x100: {  	s0 =	simm.s32 @!p0 $0x11  }
0x101: {  	_ =	swait.ge @!p0 [sflag:s0], s1  }
0x102: {  	s1 =	ssub.s32 @!p0 $0x0, s1;
	[sflag:s0] =	ssyncset.done @!p0 $0x0  }
0x103: {  	[sflag:s0] =	ssyncadd.s32 @!p0 s1  }
0x104: {  	[bflag:$0x3] =	sbarrier.arrive $0xFFFF  }
0x105: {  	_ =	shalt  }

// kernel: sparse-core-data-format-call.cloned.1.call-start
scs
called_computation_lowered:
.L_overlay_start_0:
0x0: {  	s2 =	sld [smem:$0x3FD9]  }
0x1: {  	s3 =	sld [smem:$0x3FFE];
	_ =	sdelay $0x1  }
0x2: {  	s1 =	srdreg.scid  }
0x3: {  	s0 =	sand.u32 $0x1, s1  }
0x4: {  	s18 =	sshll.u32 s0, $0xA;
	s2 =	sadd.s32 s3, s2  }
0x5: {  	s2 =	sadd.s32 s2, s18  }
0x6: {  	[smem:$0x3FC6] =	sst s2  }
0x7: {  	_ = 	snop  }
0x8: {  	s2 =	sld [smem:$0x3FD0];
	(tm) =	ssettm $0x1  }
0x9: {  	s19 =	sld [smem:$0x3FFB];
	_ =	sdelay $0x3  }
0xa: {  	_ =	strace s19  }
0xb: {  	s3 =	sld [smem:$0x3FFC];
	_ =	sdelay $0x3  }
0xc: {  	_ =	strace s3  }
0xd: {  	s3 =	sld [smem:$0x3FFD];
	_ =	sdelay $0x3  }
0xe: {  	_ =	strace s3  }
0xf: {  	_ =	strace $0x8FFFFFFF  }
0x10: {  	s20 =	sld [smem:$0x3FDB];
	_ =	sdelay $0x1  }
0x11: {  	s4 =	simm.s32 $_scs_section_size  }
0x12: {  	s5 =	simm.s32 $_size__tile_overlayer_lowered;
	s6 =	simm.s32 $_tile_overlayer_lowered  }
0x13: {  	s23 =	simm.s32 $0x1BFF;
	s22 =	sshll.u32 s6, $0x1;
	s3 =	sadd.s32 s4, s20  }
0x14: {  	s7 =	simm.s32 $0x0;
	s21 =	sshll.u32 s5, $0x1;
	s5 =	sadd.s32 s22, s3  }
0x15: {  	[timem:s7], [sflag:s23] =	dma.local [hbm:s5], s21  }
0x16: {  	_ =	swait.ge [sflag:s23], s21  }
0x17: {  	s4 =	ssub.s32 $0x0, s21;
	[sflag:s23] =	ssyncset.done $0x0  }
0x18: {  	[sflag:s23] =	ssyncadd.s32 s4;
	_ =	sdelay $0x1  }
0x19: {  	s24 =	simm.s32 $0x1B8B  }
0x1a: {  	_ =	swait.ge [sflag:s24], $0x1  }
0x1b: {  	[sflag:s24] =	ssyncset.done $0x0  }
0x1c: {  	s26 =	simm.s32 $0x1B8E;
	s25 =	sld [smem:$0x3FFE];
	[sflag:s24] =	ssyncadd.s32 $0xFFFFFFFF  }
0x1d: {  	s27 =	simm.s32 $execute0_lowered;
	[smem:$0x3FD2] =	sst s26  }
0x1e: {  	s5 =	sshll.u32 s27, $0x1;
	_ =	strace $0x80000049;
	[dreg:$0x1] =	wrdreg $0xFFFFFFFF  }
0x1f: {  	s28 =	simm.s32 $_size_execute0_lowered;
	s3 =	sadd.s32 s3, s5;
	[dreg:$0x0] =	wrdreg $0x0  }
0x20: {  	s5 =	sshll.u32 s28, $0x1;
	[dreg:$0x2] =	wrdreg s3  }
0x21: {  	[dreg:$0x3] =	wrdreg s5  }
0x22: {  	[dreg:$0x4] =	wrdreg $0xC0  }
0x23: {  	_ =	task [dreg:s7], $0x5FFFF  }
0x24: {  	[dreg:$0x1] =	wrdreg $0xFFFFFFFF  }
0x25: {  	[dreg:$0x0] =	wrdreg $0x60  }
0x26: {  	[dreg:$0x2] =	wrdreg s25  }
0x27: {  	[dreg:$0x3] =	wrdreg s2  }
0x28: {  	[dreg:$0x4] =	wrdreg $0x9  }
0x29: {  	_ =	task.clear_ibuf [dreg:s7], $0x5FFFF;
	_ =	strace $0x90000049  }
0x2a: {  	s29 =	simm.s32 $0x9;
	_ =	strace $0x8000004B  }
0x2b: {  	_ =	swait.ge [sflag:s29], $0x1  }
0x2c: {  	[sflag:s29] =	ssyncadd.s32 $0xFFFFFFFF  }
0x2d: {  	_ =	strace $0x9000004B  }
0x2e: {  	_ =	sfence  }
0x2f: {  	s30 =	sld [smem:$0x0];
	_ =	sdelay $0x2  }
0x30: {  	s31 =	sshll.u32 s1, $0xD;
	s1 =	sshrl.u32 s1, $0x2  }
0x31: {  	s3 =	sand.u32 $0x4000, s31;
	s1 =	sadd.s32 s1, s30  }
0x32: {  	s0 =	sor.u32 s3, s0;
	s1 =	sshll.u32 s1, $0x11  }
0x33: {  	s0 =	sor.u32 s1, s0  }
0x34: {  	s0 =	sadd.s32 $0x8F2B, s0  }
0x35: {  	[sflag:s0] =	ssyncadd.remote.s32 $0x1  }
0x36: {  	_ =	sfence.sel $0xFFFF  }
0x37: {  	[dreg:$0x0] =	wrdreg $0xFFFFFFFF;
	(pc) =	sbr.abs _section_cstart, $3  }
0x38: {  	[dreg:$0x1] =	wrdreg $0xFFFFFFFF  }
0x39: {  	_ =	task.clear_ibuf [dreg:s7], $0x2FFFF;
	_ =	strace $0x9FFFFFFF  }
0x3a: {  	(tm) =	ssettm $0x7FFFFFFF  }
0x3b: {  	_ =	shalt  }
tec
execute0_lowered:
.L_overlay_start_1:
0x0: {  	(tag) =	ssettag $0x1  }
0x1: {  	s0 =	srdreg.scid  }
0x2: {  	s1 =	sshll.u32 s0, $0x4  }
0x3: {  	s0 =	stileid.u32;
	s1 =	sand.u32 $0x10, s1  }
0x4: {  	s1 =	sor.u32 s0, s1  }
0x5: {  	s6 =	rddreg [dreg:$0x0];
	s4 =	simm.s32 $0x1;
	s2 =	sshll.u32 s1, $0x7  }
0x6: {  	s7 =	simm.s32 $0x2;
	s12 =	simm.s32 $0x0;
	s1 =	ssub.s32 $0x4000, s2  }
0x7: {  	s8 =	simm.s32 $0x20000;
	s13 =	simm.s32 $0x0;
	s3 =	sand.u32 $0xF80, s1  }
0x8: {  	s9 =	simm.s32 $0x0;
	s5 =	sshrl.u32 s1, $0xC;
	p0 =	sne.s32 s3, $0x0  }
.Ltmp0:
0x9: {  	s1 =	rddreg [dreg:$0x2];
	s4 =	simm.s32 @!p0 $0x0;
	(pc) =	sbr.rel .LBB1_1-.Ltmp0, $4  }
0xa: {  	s11 =	simm.s32 $0x0;
	s3 =	rddreg [dreg:$0x1];
	s5 =	sadd.s32 s4, s5  }
0xb: {  	_ =	strace $0x8000004A;
	s4 =	simm.s32 $0x1;
	s5 =	smul.u32 $0x32, s5  }
0xc: {  	s6 =	sadd.s32 $0xE00, s6;
	s10 =	smov.u32 s2;
	[sflag:s4] =	ssyncpa.u1 $0x0  }
0xd: {  	p0 =	por $0x0, $0x0;
	[sflag:s7] =	ssyncpa.u1 $0x0;
	s7 =	sor.u32 $0x1, s5  }
.LBB1_4:
0xe: {  	s16 =	sshll.u32 s13, $0x3;
	s17 =	sand.u32 $0x78, s13  }
0xf: {  	s30 =	sand.u32 $0x1F800, s13;
	s12 =	sshll.u32 s12, $0x11;
	s16 =	sand.u32 $0x3C00, s16  }
0x10: {  	[tilespmem:s15+$0x810 ss:$0x81] =	vst.msk $0xffff, v2;
	s31 =	sand.u32 $0x7, s13;
	s16 =	sor.u32 s17, s16;
	s17 =	sadd.s32 s3, s30  }
0x11: {  	[tilespmem:s15+$0x1020 ss:$0x81] =	vst.msk $0xffff, v0;
	s13 =	sshll.u32 s31, $0x12;
	s12 =	sadd.s32 s12, s17;
	s16 =	sshrl.u32 s16, $0x3  }
0x12: {  	[tilespmem:s15+$0x0 ss:$0x81] =	vst.msk $0xffff, v1;
	s13 =	sor.u32 $0x400, s13;
	s12 =	sadd.s32 s16, s12  }
0x13: {  	[hbm4b:s12+s13] =	stream.strided.scatter [tilespmem:s14], [sflag:$0x2], $0x2000, s8, s13, $0x20;
	[tilespmem:$0x8080] =	vst v63  }
.LBB1_5:
0x14: {  	s14 =	sadd.s32 $0x1, s9  }
0x15: {  	s12 =	sadd.s32 $0x1000, s10;
	s16 =	smov.u32 s10;
	p2 =	sgt.s32 s14, $0x31  }
0x16: {  	s16 =	smov.u32 @p2 s12  }
0x17: {  	s14 =	simm.s32 @p2 $0x0;
	p2 =	sgt.s32 s16, $0x3FFF  }
0x18: {  	s16 =	smov.u32 @p2 s2;
	p2 =	sne.s32 s11, s7  }
.Ltmp1:
0x19: {  	p1 =	slt.u32 s11, $0x2;
	(pc) =	sbr.rel @!p2 .LBB1_6-.Ltmp1, $4  }
0x1a: {  	s15 =	simm.s32 @!p1 $0x2  }
0x1b: {  	s13 =	smov.u32 s10;
	p0 =	por !p0, !p0;
	_ =	swait.ge @!p1 [sflag:s15], $0x2000  }
0x1c: {  	s12 =	smov.u32 s9;
	[sflag:s15] =	ssyncset.done @!p1 $0x0;
	s9 =	smov.u32 s14  }
0x1d: {  	s11 =	sadd.s32 $0x1, s11;
	[sflag:s15] =	ssyncadd.s32 @!p1 $0xFFFFE000;
	s10 =	smov.u32 s16  }
.LBB1_1:
0x1e: {  	p1 =	sge.u32 s11, s5  }
0x1f: {  	s14 =	sand.u32 @!p1 $0x1FFFFFF, s9  }
0x20: {  	s15 =	smulhi.u32 @!p1 $0x4924925, s14;
	_ =	sdelay $0x1  }
0x21: {  	s15 =	smul.u32 @!p1 $0x38, s15  }
0x22: {  	s16 =	sxor.u32 @!p1 $0xFFFFFFFF, s11;
	s17 =	smul.u32 @!p1 $0x380, s10  }
0x23: {  	s31 =	sadd.s32 $0xFFFFFFFF, s11;
	s16 =	sshll.u32 @!p1 s16, $0xD;
	s14 =	ssub.s32 @!p1 s14, s15  }
0x24: {  	s15 =	sand.u32 @!p1 $0x2000, s16;
	s16 =	sadd.s32 @!p1 s6, s17;
	s14 =	sshll.u32 @!p1 s14, $0x4  }
0x25: {  	s17 =	simm.s32 @!p1 $0x1C00;
	s14 =	sadd.s32 @!p1 s14, s16;
	s16 =	simm.s32 @!p1 $0x40  }
0x26: {  	[tilespmem:s15], [sflag:$0x1] =	stream.strided.gather @!p1 [hbm4b:s14+s16], $0x2000, s17, s16, $0x38;
	[tilespmem:$0x8080] =	vst v63  }
0x27: {  	p1 =	sge.u32 s31, s5  }
.Ltmp2:
0x28: {  	_ = 	snop;
	(pc) =	sbr.rel @p1 .LBB1_5-.Ltmp2, $1  }
0x29: {  	_ =	sdelay $0x3  }
0x2a: {  	s14 =	simm.s32 $0x1  }
0x2b: {  	_ =	swait.ge [sflag:s4], $0x2000;
	s14 =	simm.s32 @!p0 $0x0  }
0x2c: {  	[sflag:s4] =	ssyncset.done $0x0;
	s15 =	sshll.u32 s14, $0xD  }
0x2d: {  	[sflag:s4] =	ssyncadd.s32 $0xFFFFE000;
	s18 =	sor.u32 $0x20, s15  }
0x2e: {  	s14 =	smul.u32 $0x8100, s14;
	v3 =	vld [tilespmem:s18+$0x10]  }
0x2f: {  	s30 =	sand.u32 $0x1, s11;
	v2 =	vld [tilespmem:s18+$0xFFFFFFF0]  }
0x30: {  	s15 =	smul.u32 $0x8100, s30;
	s14 =	sshrl.u32 s14, $0x2;
	v0 =	vld [tilespmem:s18+$0x0]  }
0x31: {  	v1 =	vld [tilespmem:s18+$0xFFFFFFE0];
	s16 =	sor.u32 $0x4000, s14  }
0x32: {  	s31 =	sshrl.u32 s15, $0x2;
	s15 =	sadd.s32 $0x0, s16  }
0x33: {  	s17 =	simm.s32 $0x4;
	s18 =	sadd.s32 $0x40, s18;
	s14 =	sor.u32 $0x4000, s31;
	[tilespmem:s15+$0x1830 ss:$0x81] =	vst.msk $0xffff, v3  }
.LBB1_3:
0x34: {  	v3 =	vld [tilespmem:s18+$0x10];
	p1 =	sne.s32 s17, $0x1FC;
	[tilespmem:s15+$0x810 ss:$0x81] =	vst.msk $0xffff, v2;
	s19 =	smov.u32 s17;
	s17 =	sadd.s32 $0x4, s17  }
.Ltmp3:
0x35: {  	v2 =	vld [tilespmem:s18+$0xFFFFFFF0];
	[tilespmem:s15+$0x1020 ss:$0x81] =	vst.msk $0xffff, v0;
	(pc) =	sbr.rel @p1 .LBB1_3-.Ltmp3, $4  }
0x36: {  	v0 =	vld [tilespmem:s18+$0x0];
	[tilespmem:s15+$0x0 ss:$0x81] =	vst.msk $0xffff, v1  }
0x37: {  	s15 =	sshra.s32 s19, $0x2;
	v1 =	vld [tilespmem:s18+$0xFFFFFFE0]  }
0x38: {  	s15 =	sadd.s32 s15, s16  }
0x39: {  	s18 =	sadd.s32 $0x40, s18;
	[tilespmem:s15+$0x1830 ss:$0x81] =	vst.msk $0xffff, v3  }
.Ltmp4:
0x3a: {  	_ = 	snop;
	(pc) =	sbr.rel .LBB1_4-.Ltmp4, $1  }
0x3b: {  	_ =	sdelay $0x3  }
.LBB1_6:
0x3c: {  	_ =	sfence.sel $0x180000  }
0x3d: {  	s2 =	simm.s32 $0x1;
	[bflag:$0x0] =	sbarrier.arrive $0xFFFF  }
0x3e: {  	s31 =	simm.s32 $0x2;
	[sflag:s2] =	ssyncpa.u1 $0x1  }
0x3f: {  	[sflag:s31] =	ssyncpa.u1 $0x1  }
0x40: {  	p0 =	sne.s32 s0, $0x0;
	_ =	strace $0x9000004A  }
0x41: {  	s0 =	sadd.s32 @!p0 $0x100000, s1;
	[bflag:$0x2] =	sbarrier.arrive $0xFFFF  }
0x42: {  	[sflag:s0] =	ssyncadd.tile.s32 @!p0 $0x1;
	_ =	shalt  }
.Lfunc_end1:
_tile_overlayer_lowered:
.L_overlay_start_2:
0x43: {  	(tag) =	ssettag $0x2  }
0x44: {  	s0 =	rddreg [dreg:$0x0];
	s2 =	stileid.u32  }
0x45: {  	s1 =	rddreg [dreg:$0x1];
	p0 =	sne.s32 s2, $0x0  }
0x46: {  	s3 =	rddreg [dreg:$0x2];
	[bflag:$0x3] =	sbarrier.arrive $0xFFFF;
	s2 =	simm.s32 @!p0 $0x1C01  }
0x47: {  	[timem:s3], [sflag:s2] =	dma.local @!p0 [hbm:s0], s1  }
0x48: {  	s0 =	simm.s32 @!p0 $0x1  }
0x49: {  	_ =	swait.ge @!p0 [sflag:s0], s1  }
0x4a: {  	s1 =	ssub.s32 @!p0 $0x0, s1;
	[sflag:s0] =	ssyncset.done @!p0 $0x0  }
0x4b: {  	[sflag:s0] =	ssyncadd.s32 @!p0 s1  }
0x4c: {  	[bflag:$0x3] =	sbarrier.arrive $0xFFFF  }
0x4d: {  	_ =	shalt  }

</sc_bundles>
